<compile_context>
chip_gen: v7x
topology: tpu7x:2x2x1
jax: 0.10.2.dev20260603
libtpu: 0.0.44.dev20260713+nightly
codegen_flags: <defaults>
</compile_context>

<pallas_src>
import functools

import jax
import jax.numpy as jnp
from jax import lax
from jax.experimental import pallas as pl
from jax.experimental.pallas import tpu as pltpu
from jax.experimental.pallas import tpu_sc as plsc

ROWS = 4 * 4096
D = 2048
NC = 2
NS = 16
NW = NC * NS
CHUNK = ROWS // NW
R = 8
NG = CHUNK // R
NBUF = 4
P = 2
_THRESH = 1258291


def _mask16(rows_i32):
    ks0 = jnp.int32(0)
    ks1 = jnp.int32(42)
    ks2 = jnp.int32(0x1BD11BDA ^ 42)
    ks = (ks0, ks1, ks2)
    rot_a = (13, 15, 26, 6)
    rot_b = (17, 29, 16, 24)

    x0 = jnp.zeros_like(rows_i32) + ks0
    x1 = rows_i32 + ks1
    for g in range(5):
        for r in (rot_a if g % 2 == 0 else rot_b):
            x0 = x0 + x1
            x1 = (x1 << r) | lax.shift_right_logical(x1, 32 - r)
            x1 = x1 ^ x0
        x0 = x0 + ks[(g + 1) % 3]
        x1 = x1 + ks[(g + 2) % 3] + jnp.int32(g + 1)
    bits = x0 ^ x1
    shifted = lax.shift_right_logical(bits, 9)
    return jnp.where(shifted <= jnp.int32(_THRESH), jnp.int32(1), jnp.int32(0))


def _sc_body(x_hbm, mv_hbm, out_hbm, buf, mask_v, mv_sh, *sems):
    semg = sems[:NBUF]
    sems_ = sems[NBUF:]
    cid = lax.axis_index("c")
    sid = lax.axis_index("s")
    wid = sid * NC + cid
    base = wid * CHUNK

    @pl.when(sid == 0)
    def _():
        pltpu.sync_copy(mv_hbm, mv_sh)

    def mk(j, carry):
        rows = base + j * 16 + lax.broadcasted_iota(jnp.int32, (16,), 0)
        mask_v[pl.ds(pl.multiple_of(j * 16, 16), 16)] = _mask16(rows)
        return carry

    lax.fori_loop(0, CHUNK // 16, mk, 0)
    plsc.subcore_barrier()

    def step(g, carry):
        slot = jnp.bitwise_and(g, NBUF - 1)

        @pl.when(g < NG)
        def _gather():
            rowbase = base + g * R
            for j in range(NBUF):
                @pl.when(slot == j)
                def _(j=j):
                    @pl.when(g >= NBUF)
                    def _():
                        pltpu.make_async_copy(
                            buf.at[pl.ds(j * R, R)],
                            out_hbm.at[pl.ds(rowbase, R)],
                            sems_[j],
                        ).wait()

                    pltpu.async_copy(
                        x_hbm.at[pl.ds(rowbase, R)],
                        buf.at[pl.ds(j * R, R)],
                        semg[j],
                    )

        @pl.when(g >= P)
        def _process():
            gp = g - P
            slotp = jnp.bitwise_and(gp, NBUF - 1)
            rowbase = base + gp * R
            for j in range(NBUF):
                @pl.when(slotp == j)
                def _(j=j):
                    pltpu.make_async_copy(
                        x_hbm.at[pl.ds(rowbase, R)],
                        buf.at[pl.ds(j * R, R)],
                        semg[j],
                    ).wait()

            m16 = mask_v[pl.ds(gp * R, 16)]
            for k in range(R):
                @pl.when(m16[k] != 0)
                def _(k=k):
                    pltpu.sync_copy(mv_sh, buf.at[slotp * R + k])

            for j in range(NBUF):
                @pl.when(slotp == j)
                def _(j=j):
                    pltpu.async_copy(
                        buf.at[pl.ds(j * R, R)],
                        out_hbm.at[pl.ds(rowbase, R)],
                        sems_[j],
                    )

        return carry

    lax.fori_loop(0, NG + P, step, 0)

    for j in range(NBUF):
        pltpu.make_async_copy(
            buf.at[pl.ds(j * R, R)],
            out_hbm.at[pl.ds(base, R)],
            sems_[j],
        ).wait()


@jax.jit
def kernel(inputs, mask_value):
    x = inputs.reshape(ROWS, D)
    mesh = plsc.VectorSubcoreMesh(core_axis_name="c", subcore_axis_name="s")
    out = pl.kernel(
        _sc_body,
        out_type=jax.ShapeDtypeStruct((ROWS, D), jnp.float32),
        mesh=mesh,
        scratch_types=(
            [
                pltpu.VMEM((NBUF * R, D), jnp.float32),
                pltpu.VMEM((CHUNK + 16, ), jnp.int32),
                pltpu.VMEM_SHARED((D,), jnp.float32),
            ]
            + [pltpu.SemaphoreType.DMA] * (2 * NBUF)
        ),
    )(x, mask_value)
    return out.reshape(inputs.shape)

# --- scband reference (transcript-rebuilt; emitter-appended) ---
"""Pipeline reference for scband-random-mask-52226802319902 (READ-ONLY COPY).

The authoritative reference and input builder live on the scoring server;
editing this copy changes nothing except your own understanding.
"""

import jax, jax.numpy as jnp
import numpy as np

PROB = 0.15
MASK_DIM = 2048

def setup_inputs(seed: int = 0) -> dict:
    key = jax.random.key(seed)
    k1, k2 = jax.random.split(key)
    inputs = jax.random.normal(k1, (4, 4096, MASK_DIM), dtype=jnp.float32)
    # learned mask embedding, initialized uniform as in nn.Parameter(FloatTensor(mask_dim).uniform_())
    mask_value = jax.random.uniform(k2, (MASK_DIM,), dtype=jnp.float32)
    return {"inputs": inputs, "mask_value": mask_value}

def reference(inputs, mask_value):
    # training-mode forward: bernoulli mask over all dims except the last (embedding_mask=True),
    # masked positions are overwritten with the learned mask_value vector.
    mask_key = jax.random.key(42)
    mask = jax.random.bernoulli(mask_key, PROB, inputs.shape[:-1])  # bool [B, S]
    out = jnp.where(mask[..., None], mask_value, inputs)
    return out

if __name__ == "__main__":
    import jax
    _d = setup_inputs()
    print(jax.jit(kernel)(*tuple(_d.values())))

</pallas_src>

<mosaic_0001>
#map = affine_map<(d0, d1) -> (0, 0)>
#map1 = affine_map<(d0, d1) -> (0)>
module attributes {stable_mosaic.version = 14 : i64} {
  func.func @_sc_body(%arg0: i32, %arg1: i32, %arg2: memref<16384x2048xf32, #tpu.memory_space<hbm>>, %arg3: memref<2048xf32, #tpu.memory_space<hbm>>, %arg4: memref<16384x2048xf32, #tpu.memory_space<hbm>>, %arg5: memref<32x2048xf32, #tpu.memory_space<vmem>>, %arg6: memref<528xi32, #tpu.memory_space<vmem>>, %arg7: memref<2048xf32, #tpu.memory_space<vmem_shared>>, %arg8: memref<!tpu.dma_semaphore, #tpu.memory_space<semaphore_mem>>, %arg9: memref<!tpu.dma_semaphore, #tpu.memory_space<semaphore_mem>>, %arg10: memref<!tpu.dma_semaphore, #tpu.memory_space<semaphore_mem>>, %arg11: memref<!tpu.dma_semaphore, #tpu.memory_space<semaphore_mem>>, %arg12: memref<!tpu.dma_semaphore, #tpu.memory_space<semaphore_mem>>, %arg13: memref<!tpu.dma_semaphore, #tpu.memory_space<semaphore_mem>>, %arg14: memref<!tpu.dma_semaphore, #tpu.memory_space<semaphore_mem>>, %arg15: memref<!tpu.dma_semaphore, #tpu.memory_space<semaphore_mem>>) attributes {dimension_semantics = [#tpu.dimension_semantics<core_parallel>, #tpu.dimension_semantics<subcore_parallel>], iteration_bounds = array<i64: 2, 16>, scalar_prefetch = 0 : i64, scratch_operands = 11 : i64, tpu.core_type = #tpu.core_type<sc_vector_subcore>, window_params = [{transform_indices = #map}, {transform_indices = #map1}, {transform_indices = #map}]} {
    %mul3A = arith.constant 2 : i32
    %mul3A_0 = arith.muli %arg1, %mul3A : i32
    %add3A = arith.addi %mul3A_0, %arg0 : i32
    %mul3A_1 = arith.constant 512 : i32
    %mul3A_2 = arith.muli %add3A, %mul3A_1 : i32
    %eq3A = arith.constant 0 : i32
    %eq3A_3 = arith.cmpi eq, %arg1, %eq3A : i32
    %convert_element_type3A = arith.extui %eq3A_3 : i1 to i32
    %cond3A = arith.constant 0 : i32
    %cond3A_4 = arith.cmpi ne, %convert_element_type3A, %cond3A : i32
    scf.if %cond3A_4 {
      "tpu.region"() ({
        %run_scoped3A = tpu.sem_alloc : memref<!tpu.dma_semaphore, #tpu.memory_space<semaphore_mem>>
        tpu.enqueue_dma source(%arg3 : memref<2048xf32, #tpu.memory_space<hbm>>) target(%arg7 : memref<2048xf32, #tpu.memory_space<vmem_shared>>) target_semaphore(%run_scoped3A : memref<!tpu.dma_semaphore, #tpu.memory_space<semaphore_mem>>)
        tpu.wait_dma2 semaphore(%run_scoped3A : memref<!tpu.dma_semaphore, #tpu.memory_space<semaphore_mem>>) src(%arg3 : memref<2048xf32, #tpu.memory_space<hbm>>) dst(%arg7 : memref<2048xf32, #tpu.memory_space<vmem_shared>>)
        tpu.yield
      }) : () -> ()
    } else {
    }
    %scan3A = arith.constant 0 : i32
    %scan3A_5 = arith.constant 0 : i32
    %scan3A_6 = arith.constant 32 : i32
    %scan3A_7 = arith.addi %scan3A_5, %scan3A_6 : i32
    %scan3A_8 = arith.constant 1 : i32
    scf.for %scan3A_55 = %scan3A_5 to %scan3A_7 step %scan3A_8  : i32 {
      %mul3A_56 = arith.constant 16 : i32
      %mul3A_57 = arith.muli %scan3A_55, %mul3A_56 : i32
      %add3A_58 = arith.addi %mul3A_2, %mul3A_57 : i32
      %iota3A = tpu.iota {dimensions = array<i32: 0>} : vector<16xi32>
      %add3A_59 = vector.broadcast %add3A_58 : i32 to vector<16xi32>
      %add3A_60 = arith.addi %add3A_59, %iota3A : vector<16xi32>
      %broadcast_in_dim3A = arith.constant 0 : i32
      %broadcast_in_dim3A_61 = vector.broadcast %broadcast_in_dim3A : i32 to vector<16xi32>
      %add3A_62 = arith.constant 0 : i32
      %add3A_63 = vector.broadcast %add3A_62 : i32 to vector<16xi32>
      %add3A_64 = arith.addi %broadcast_in_dim3A_61, %add3A_63 : vector<16xi32>
      %add3A_65 = arith.constant 42 : i32
      %add3A_66 = vector.broadcast %add3A_65 : i32 to vector<16xi32>
      %add3A_67 = arith.addi %add3A_60, %add3A_66 : vector<16xi32>
      %add3A_68 = arith.addi %add3A_64, %add3A_67 : vector<16xi32>
      %shift_left3A = arith.constant 13 : i32
      %shift_left3A_69 = vector.broadcast %shift_left3A : i32 to vector<16xi32>
      %shift_left3A_70 = arith.shli %add3A_67, %shift_left3A_69 : vector<16xi32>
      %shift_right_logical3A = arith.constant 19 : i32
      %shift_right_logical3A_71 = vector.broadcast %shift_right_logical3A : i32 to vector<16xi32>
      %shift_right_logical3A_72 = arith.shrui %add3A_67, %shift_right_logical3A_71 : vector<16xi32>
      %or3A = arith.ori %shift_left3A_70, %shift_right_logical3A_72 : vector<16xi32>
      %xor3A = arith.xori %or3A, %add3A_68 : vector<16xi32>
      %add3A_73 = arith.addi %add3A_68, %xor3A : vector<16xi32>
      %shift_left3A_74 = arith.constant 15 : i32
      %shift_left3A_75 = vector.broadcast %shift_left3A_74 : i32 to vector<16xi32>
      %shift_left3A_76 = arith.shli %xor3A, %shift_left3A_75 : vector<16xi32>
      %shift_right_logical3A_77 = arith.constant 17 : i32
      %shift_right_logical3A_78 = vector.broadcast %shift_right_logical3A_77 : i32 to vector<16xi32>
      %shift_right_logical3A_79 = arith.shrui %xor3A, %shift_right_logical3A_78 : vector<16xi32>
      %or3A_80 = arith.ori %shift_left3A_76, %shift_right_logical3A_79 : vector<16xi32>
      %xor3A_81 = arith.xori %or3A_80, %add3A_73 : vector<16xi32>
      %add3A_82 = arith.addi %add3A_73, %xor3A_81 : vector<16xi32>
      %shift_left3A_83 = arith.constant 26 : i32
      %shift_left3A_84 = vector.broadcast %shift_left3A_83 : i32 to vector<16xi32>
      %shift_left3A_85 = arith.shli %xor3A_81, %shift_left3A_84 : vector<16xi32>
      %shift_right_logical3A_86 = arith.constant 6 : i32
      %shift_right_logical3A_87 = vector.broadcast %shift_right_logical3A_86 : i32 to vector<16xi32>
      %shift_right_logical3A_88 = arith.shrui %xor3A_81, %shift_right_logical3A_87 : vector<16xi32>
      %or3A_89 = arith.ori %shift_left3A_85, %shift_right_logical3A_88 : vector<16xi32>
      %xor3A_90 = arith.xori %or3A_89, %add3A_82 : vector<16xi32>
      %add3A_91 = arith.addi %add3A_82, %xor3A_90 : vector<16xi32>
      %shift_left3A_92 = arith.constant 6 : i32
      %shift_left3A_93 = vector.broadcast %shift_left3A_92 : i32 to vector<16xi32>
      %shift_left3A_94 = arith.shli %xor3A_90, %shift_left3A_93 : vector<16xi32>
      %shift_right_logical3A_95 = arith.constant 26 : i32
      %shift_right_logical3A_96 = vector.broadcast %shift_right_logical3A_95 : i32 to vector<16xi32>
      %shift_right_logical3A_97 = arith.shrui %xor3A_90, %shift_right_logical3A_96 : vector<16xi32>
      %or3A_98 = arith.ori %shift_left3A_94, %shift_right_logical3A_97 : vector<16xi32>
      %xor3A_99 = arith.xori %or3A_98, %add3A_91 : vector<16xi32>
      %add3A_100 = arith.constant 42 : i32
      %add3A_101 = vector.broadcast %add3A_100 : i32 to vector<16xi32>
      %add3A_102 = arith.addi %add3A_91, %add3A_101 : vector<16xi32>
      %add3A_103 = arith.constant 466689008 : i32
      %add3A_104 = vector.broadcast %add3A_103 : i32 to vector<16xi32>
      %add3A_105 = arith.addi %xor3A_99, %add3A_104 : vector<16xi32>
      %add3A_106 = arith.constant 1 : i32
      %add3A_107 = vector.broadcast %add3A_106 : i32 to vector<16xi32>
      %add3A_108 = arith.addi %add3A_105, %add3A_107 : vector<16xi32>
      %add3A_109 = arith.addi %add3A_102, %add3A_108 : vector<16xi32>
      %shift_left3A_110 = arith.constant 17 : i32
      %shift_left3A_111 = vector.broadcast %shift_left3A_110 : i32 to vector<16xi32>
      %shift_left3A_112 = arith.shli %add3A_108, %shift_left3A_111 : vector<16xi32>
      %shift_right_logical3A_113 = arith.constant 15 : i32
      %shift_right_logical3A_114 = vector.broadcast %shift_right_logical3A_113 : i32 to vector<16xi32>
      %shift_right_logical3A_115 = arith.shrui %add3A_108, %shift_right_logical3A_114 : vector<16xi32>
      %or3A_116 = arith.ori %shift_left3A_112, %shift_right_logical3A_115 : vector<16xi32>
      %xor3A_117 = arith.xori %or3A_116, %add3A_109 : vector<16xi32>
      %add3A_118 = arith.addi %add3A_109, %xor3A_117 : vector<16xi32>
      %shift_left3A_119 = arith.constant 29 : i32
      %shift_left3A_120 = vector.broadcast %shift_left3A_119 : i32 to vector<16xi32>
      %shift_left3A_121 = arith.shli %xor3A_117, %shift_left3A_120 : vector<16xi32>
      %shift_right_logical3A_122 = arith.constant 3 : i32
      %shift_right_logical3A_123 = vector.broadcast %shift_right_logical3A_122 : i32 to vector<16xi32>
      %shift_right_logical3A_124 = arith.shrui %xor3A_117, %shift_right_logical3A_123 : vector<16xi32>
      %or3A_125 = arith.ori %shift_left3A_121, %shift_right_logical3A_124 : vector<16xi32>
      %xor3A_126 = arith.xori %or3A_125, %add3A_118 : vector<16xi32>
      %add3A_127 = arith.addi %add3A_118, %xor3A_126 : vector<16xi32>
      %shift_left3A_128 = arith.constant 16 : i32
      %shift_left3A_129 = vector.broadcast %shift_left3A_128 : i32 to vector<16xi32>
      %shift_left3A_130 = arith.shli %xor3A_126, %shift_left3A_129 : vector<16xi32>
      %shift_right_logical3A_131 = arith.constant 16 : i32
      %shift_right_logical3A_132 = vector.broadcast %shift_right_logical3A_131 : i32 to vector<16xi32>
      %shift_right_logical3A_133 = arith.shrui %xor3A_126, %shift_right_logical3A_132 : vector<16xi32>
      %or3A_134 = arith.ori %shift_left3A_130, %shift_right_logical3A_133 : vector<16xi32>
      %xor3A_135 = arith.xori %or3A_134, %add3A_127 : vector<16xi32>
      %add3A_136 = arith.addi %add3A_127, %xor3A_135 : vector<16xi32>
      %shift_left3A_137 = arith.constant 24 : i32
      %shift_left3A_138 = vector.broadcast %shift_left3A_137 : i32 to vector<16xi32>
      %shift_left3A_139 = arith.shli %xor3A_135, %shift_left3A_138 : vector<16xi32>
      %shift_right_logical3A_140 = arith.constant 8 : i32
      %shift_right_logical3A_141 = vector.broadcast %shift_right_logical3A_140 : i32 to vector<16xi32>
      %shift_right_logical3A_142 = arith.shrui %xor3A_135, %shift_right_logical3A_141 : vector<16xi32>
      %or3A_143 = arith.ori %shift_left3A_139, %shift_right_logical3A_142 : vector<16xi32>
      %xor3A_144 = arith.xori %or3A_143, %add3A_136 : vector<16xi32>
      %add3A_145 = arith.constant 466689008 : i32
      %add3A_146 = vector.broadcast %add3A_145 : i32 to vector<16xi32>
      %add3A_147 = arith.addi %add3A_136, %add3A_146 : vector<16xi32>
      %add3A_148 = arith.constant 0 : i32
      %add3A_149 = vector.broadcast %add3A_148 : i32 to vector<16xi32>
      %add3A_150 = arith.addi %xor3A_144, %add3A_149 : vector<16xi32>
      %add3A_151 = arith.constant 2 : i32
      %add3A_152 = vector.broadcast %add3A_151 : i32 to vector<16xi32>
      %add3A_153 = arith.addi %add3A_150, %add3A_152 : vector<16xi32>
      %add3A_154 = arith.addi %add3A_147, %add3A_153 : vector<16xi32>
      %shift_left3A_155 = arith.constant 13 : i32
      %shift_left3A_156 = vector.broadcast %shift_left3A_155 : i32 to vector<16xi32>
      %shift_left3A_157 = arith.shli %add3A_153, %shift_left3A_156 : vector<16xi32>
      %shift_right_logical3A_158 = arith.constant 19 : i32
      %shift_right_logical3A_159 = vector.broadcast %shift_right_logical3A_158 : i32 to vector<16xi32>
      %shift_right_logical3A_160 = arith.shrui %add3A_153, %shift_right_logical3A_159 : vector<16xi32>
      %or3A_161 = arith.ori %shift_left3A_157, %shift_right_logical3A_160 : vector<16xi32>
      %xor3A_162 = arith.xori %or3A_161, %add3A_154 : vector<16xi32>
      %add3A_163 = arith.addi %add3A_154, %xor3A_162 : vector<16xi32>
      %shift_left3A_164 = arith.constant 15 : i32
      %shift_left3A_165 = vector.broadcast %shift_left3A_164 : i32 to vector<16xi32>
      %shift_left3A_166 = arith.shli %xor3A_162, %shift_left3A_165 : vector<16xi32>
      %shift_right_logical3A_167 = arith.constant 17 : i32
      %shift_right_logical3A_168 = vector.broadcast %shift_right_logical3A_167 : i32 to vector<16xi32>
      %shift_right_logical3A_169 = arith.shrui %xor3A_162, %shift_right_logical3A_168 : vector<16xi32>
      %or3A_170 = arith.ori %shift_left3A_166, %shift_right_logical3A_169 : vector<16xi32>
      %xor3A_171 = arith.xori %or3A_170, %add3A_163 : vector<16xi32>
      %add3A_172 = arith.addi %add3A_163, %xor3A_171 : vector<16xi32>
      %shift_left3A_173 = arith.constant 26 : i32
      %shift_left3A_174 = vector.broadcast %shift_left3A_173 : i32 to vector<16xi32>
      %shift_left3A_175 = arith.shli %xor3A_171, %shift_left3A_174 : vector<16xi32>
      %shift_right_logical3A_176 = arith.constant 6 : i32
      %shift_right_logical3A_177 = vector.broadcast %shift_right_logical3A_176 : i32 to vector<16xi32>
      %shift_right_logical3A_178 = arith.shrui %xor3A_171, %shift_right_logical3A_177 : vector<16xi32>
      %or3A_179 = arith.ori %shift_left3A_175, %shift_right_logical3A_178 : vector<16xi32>
      %xor3A_180 = arith.xori %or3A_179, %add3A_172 : vector<16xi32>
      %add3A_181 = arith.addi %add3A_172, %xor3A_180 : vector<16xi32>
      %shift_left3A_182 = arith.constant 6 : i32
      %shift_left3A_183 = vector.broadcast %shift_left3A_182 : i32 to vector<16xi32>
      %shift_left3A_184 = arith.shli %xor3A_180, %shift_left3A_183 : vector<16xi32>
      %shift_right_logical3A_185 = arith.constant 26 : i32
      %shift_right_logical3A_186 = vector.broadcast %shift_right_logical3A_185 : i32 to vector<16xi32>
      %shift_right_logical3A_187 = arith.shrui %xor3A_180, %shift_right_logical3A_186 : vector<16xi32>
      %or3A_188 = arith.ori %shift_left3A_184, %shift_right_logical3A_187 : vector<16xi32>
      %xor3A_189 = arith.xori %or3A_188, %add3A_181 : vector<16xi32>
      %add3A_190 = arith.constant 0 : i32
      %add3A_191 = vector.broadcast %add3A_190 : i32 to vector<16xi32>
      %add3A_192 = arith.addi %add3A_181, %add3A_191 : vector<16xi32>
      %add3A_193 = arith.constant 42 : i32
      %add3A_194 = vector.broadcast %add3A_193 : i32 to vector<16xi32>
      %add3A_195 = arith.addi %xor3A_189, %add3A_194 : vector<16xi32>
      %add3A_196 = arith.constant 3 : i32
      %add3A_197 = vector.broadcast %add3A_196 : i32 to vector<16xi32>
      %add3A_198 = arith.addi %add3A_195, %add3A_197 : vector<16xi32>
      %add3A_199 = arith.addi %add3A_192, %add3A_198 : vector<16xi32>
      %shift_left3A_200 = arith.constant 17 : i32
      %shift_left3A_201 = vector.broadcast %shift_left3A_200 : i32 to vector<16xi32>
      %shift_left3A_202 = arith.shli %add3A_198, %shift_left3A_201 : vector<16xi32>
      %shift_right_logical3A_203 = arith.constant 15 : i32
      %shift_right_logical3A_204 = vector.broadcast %shift_right_logical3A_203 : i32 to vector<16xi32>
      %shift_right_logical3A_205 = arith.shrui %add3A_198, %shift_right_logical3A_204 : vector<16xi32>
      %or3A_206 = arith.ori %shift_left3A_202, %shift_right_logical3A_205 : vector<16xi32>
      %xor3A_207 = arith.xori %or3A_206, %add3A_199 : vector<16xi32>
      %add3A_208 = arith.addi %add3A_199, %xor3A_207 : vector<16xi32>
      %shift_left3A_209 = arith.constant 29 : i32
      %shift_left3A_210 = vector.broadcast %shift_left3A_209 : i32 to vector<16xi32>
      %shift_left3A_211 = arith.shli %xor3A_207, %shift_left3A_210 : vector<16xi32>
      %shift_right_logical3A_212 = arith.constant 3 : i32
      %shift_right_logical3A_213 = vector.broadcast %shift_right_logical3A_212 : i32 to vector<16xi32>
      %shift_right_logical3A_214 = arith.shrui %xor3A_207, %shift_right_logical3A_213 : vector<16xi32>
      %or3A_215 = arith.ori %shift_left3A_211, %shift_right_logical3A_214 : vector<16xi32>
      %xor3A_216 = arith.xori %or3A_215, %add3A_208 : vector<16xi32>
      %add3A_217 = arith.addi %add3A_208, %xor3A_216 : vector<16xi32>
      %shift_left3A_218 = arith.constant 16 : i32
      %shift_left3A_219 = vector.broadcast %shift_left3A_218 : i32 to vector<16xi32>
      %shift_left3A_220 = arith.shli %xor3A_216, %shift_left3A_219 : vector<16xi32>
      %shift_right_logical3A_221 = arith.constant 16 : i32
      %shift_right_logical3A_222 = vector.broadcast %shift_right_logical3A_221 : i32 to vector<16xi32>
      %shift_right_logical3A_223 = arith.shrui %xor3A_216, %shift_right_logical3A_222 : vector<16xi32>
      %or3A_224 = arith.ori %shift_left3A_220, %shift_right_logical3A_223 : vector<16xi32>
      %xor3A_225 = arith.xori %or3A_224, %add3A_217 : vector<16xi32>
      %add3A_226 = arith.addi %add3A_217, %xor3A_225 : vector<16xi32>
      %shift_left3A_227 = arith.constant 24 : i32
      %shift_left3A_228 = vector.broadcast %shift_left3A_227 : i32 to vector<16xi32>
      %shift_left3A_229 = arith.shli %xor3A_225, %shift_left3A_228 : vector<16xi32>
      %shift_right_logical3A_230 = arith.constant 8 : i32
      %shift_right_logical3A_231 = vector.broadcast %shift_right_logical3A_230 : i32 to vector<16xi32>
      %shift_right_logical3A_232 = arith.shrui %xor3A_225, %shift_right_logical3A_231 : vector<16xi32>
      %or3A_233 = arith.ori %shift_left3A_229, %shift_right_logical3A_232 : vector<16xi32>
      %xor3A_234 = arith.xori %or3A_233, %add3A_226 : vector<16xi32>
      %add3A_235 = arith.constant 42 : i32
      %add3A_236 = vector.broadcast %add3A_235 : i32 to vector<16xi32>
      %add3A_237 = arith.addi %add3A_226, %add3A_236 : vector<16xi32>
      %add3A_238 = arith.constant 466689008 : i32
      %add3A_239 = vector.broadcast %add3A_238 : i32 to vector<16xi32>
      %add3A_240 = arith.addi %xor3A_234, %add3A_239 : vector<16xi32>
      %add3A_241 = arith.constant 4 : i32
      %add3A_242 = vector.broadcast %add3A_241 : i32 to vector<16xi32>
      %add3A_243 = arith.addi %add3A_240, %add3A_242 : vector<16xi32>
      %add3A_244 = arith.addi %add3A_237, %add3A_243 : vector<16xi32>
      %shift_left3A_245 = arith.constant 13 : i32
      %shift_left3A_246 = vector.broadcast %shift_left3A_245 : i32 to vector<16xi32>
      %shift_left3A_247 = arith.shli %add3A_243, %shift_left3A_246 : vector<16xi32>
      %shift_right_logical3A_248 = arith.constant 19 : i32
      %shift_right_logical3A_249 = vector.broadcast %shift_right_logical3A_248 : i32 to vector<16xi32>
      %shift_right_logical3A_250 = arith.shrui %add3A_243, %shift_right_logical3A_249 : vector<16xi32>
      %or3A_251 = arith.ori %shift_left3A_247, %shift_right_logical3A_250 : vector<16xi32>
      %xor3A_252 = arith.xori %or3A_251, %add3A_244 : vector<16xi32>
      %add3A_253 = arith.addi %add3A_244, %xor3A_252 : vector<16xi32>
      %shift_left3A_254 = arith.constant 15 : i32
      %shift_left3A_255 = vector.broadcast %shift_left3A_254 : i32 to vector<16xi32>
      %shift_left3A_256 = arith.shli %xor3A_252, %shift_left3A_255 : vector<16xi32>
      %shift_right_logical3A_257 = arith.constant 17 : i32
      %shift_right_logical3A_258 = vector.broadcast %shift_right_logical3A_257 : i32 to vector<16xi32>
      %shift_right_logical3A_259 = arith.shrui %xor3A_252, %shift_right_logical3A_258 : vector<16xi32>
      %or3A_260 = arith.ori %shift_left3A_256, %shift_right_logical3A_259 : vector<16xi32>
      %xor3A_261 = arith.xori %or3A_260, %add3A_253 : vector<16xi32>
      %add3A_262 = arith.addi %add3A_253, %xor3A_261 : vector<16xi32>
      %shift_left3A_263 = arith.constant 26 : i32
      %shift_left3A_264 = vector.broadcast %shift_left3A_263 : i32 to vector<16xi32>
      %shift_left3A_265 = arith.shli %xor3A_261, %shift_left3A_264 : vector<16xi32>
      %shift_right_logical3A_266 = arith.constant 6 : i32
      %shift_right_logical3A_267 = vector.broadcast %shift_right_logical3A_266 : i32 to vector<16xi32>
      %shift_right_logical3A_268 = arith.shrui %xor3A_261, %shift_right_logical3A_267 : vector<16xi32>
      %or3A_269 = arith.ori %shift_left3A_265, %shift_right_logical3A_268 : vector<16xi32>
      %xor3A_270 = arith.xori %or3A_269, %add3A_262 : vector<16xi32>
      %add3A_271 = arith.addi %add3A_262, %xor3A_270 : vector<16xi32>
      %shift_left3A_272 = arith.constant 6 : i32
      %shift_left3A_273 = vector.broadcast %shift_left3A_272 : i32 to vector<16xi32>
      %shift_left3A_274 = arith.shli %xor3A_270, %shift_left3A_273 : vector<16xi32>
      %shift_right_logical3A_275 = arith.constant 26 : i32
      %shift_right_logical3A_276 = vector.broadcast %shift_right_logical3A_275 : i32 to vector<16xi32>
      %shift_right_logical3A_277 = arith.shrui %xor3A_270, %shift_right_logical3A_276 : vector<16xi32>
      %or3A_278 = arith.ori %shift_left3A_274, %shift_right_logical3A_277 : vector<16xi32>
      %xor3A_279 = arith.xori %or3A_278, %add3A_271 : vector<16xi32>
      %add3A_280 = arith.constant 466689008 : i32
      %add3A_281 = vector.broadcast %add3A_280 : i32 to vector<16xi32>
      %add3A_282 = arith.addi %add3A_271, %add3A_281 : vector<16xi32>
      %add3A_283 = arith.constant 0 : i32
      %add3A_284 = vector.broadcast %add3A_283 : i32 to vector<16xi32>
      %add3A_285 = arith.addi %xor3A_279, %add3A_284 : vector<16xi32>
      %add3A_286 = arith.constant 5 : i32
      %add3A_287 = vector.broadcast %add3A_286 : i32 to vector<16xi32>
      %add3A_288 = arith.addi %add3A_285, %add3A_287 : vector<16xi32>
      %xor3A_289 = arith.xori %add3A_282, %add3A_288 : vector<16xi32>
      %shift_right_logical3A_290 = arith.constant 9 : i32
      %shift_right_logical3A_291 = vector.broadcast %shift_right_logical3A_290 : i32 to vector<16xi32>
      %shift_right_logical3A_292 = arith.shrui %xor3A_289, %shift_right_logical3A_291 : vector<16xi32>
      %le3A = arith.constant 1258291 : i32
      %le3A_293 = vector.broadcast %le3A : i32 to vector<16xi32>
      %le3A_294 = arith.cmpi sle, %shift_right_logical3A_292, %le3A_293 : vector<16xi32>
      %jit3A = arith.constant 1 : i32
      %jit3A_295 = arith.constant 0 : i32
      %broadcast_in_dim3A_296 = vector.broadcast %jit3A : i32 to vector<16xi32>
      %broadcast_in_dim3A_297 = vector.broadcast %jit3A_295 : i32 to vector<16xi32>
      %select_n3A = arith.select %le3A_294, %broadcast_in_dim3A_296, %broadcast_in_dim3A_297 : vector<16xi1>, vector<16xi32>
      %mul3A_298 = arith.constant 16 : i32
      %mul3A_299 = arith.muli %scan3A_55, %mul3A_298 : i32
      %multiple_of3A = tpu.assume_multiple %mul3A_299, 16 : i32
      %swap3A = arith.index_cast %multiple_of3A : i32 to index
      %swap3A_300 = tpu.vector_load %arg6[%swap3A] {strides = array<i32>} : memref<528xi32, #tpu.memory_space<vmem>>, vector<16xi32>,
      %swap3A_301 = vector.shape_cast %swap3A_300 : vector<16xi32> to vector<16xi32>
      %swap3A_302 = vector.shape_cast %select_n3A : vector<16xi32> to vector<16xi32>
      tpu.vector_store %arg6[%swap3A], %swap3A_302 {strides = array<i32>} : memref<528xi32, #tpu.memory_space<vmem>>, vector<16xi32>,
    }
    %scan3A_9 = arith.constant 32 : i32
    %barrier3A = arith.constant 0 : index
    tpu.barrier barrier_id(%barrier3A)
    %scan3A_10 = arith.constant 0 : i32
    %scan3A_11 = arith.constant 0 : i32
    %scan3A_12 = arith.constant 66 : i32
    %scan3A_13 = arith.addi %scan3A_11, %scan3A_12 : i32
    %scan3A_14 = arith.constant 1 : i32
    scf.for %scan3A_55 = %scan3A_11 to %scan3A_13 step %scan3A_14  : i32 {
      %and3A = arith.constant 3 : i32
      %and3A_56 = arith.andi %scan3A_55, %and3A : i32
      %lt3A = arith.constant 64 : i32
      %lt3A_57 = arith.cmpi slt, %scan3A_55, %lt3A : i32
      %convert_element_type3A_58 = arith.extui %lt3A_57 : i1 to i32
      %cond3A_59 = arith.constant 0 : i32
      %cond3A_60 = arith.cmpi ne, %convert_element_type3A_58, %cond3A_59 : i32
      scf.if %cond3A_60 {
        %mul3A_65 = arith.constant 8 : i32
        %mul3A_66 = arith.muli %scan3A_55, %mul3A_65 : i32
        %add3A_67 = arith.addi %mul3A_2, %mul3A_66 : i32
        %eq3A_68 = arith.constant 0 : i32
        %eq3A_69 = arith.cmpi eq, %and3A_56, %eq3A_68 : i32
        %convert_element_type3A_70 = arith.extui %eq3A_69 : i1 to i32
        %cond3A_71 = arith.constant 0 : i32
        %cond3A_72 = arith.cmpi ne, %convert_element_type3A_70, %cond3A_71 : i32
        scf.if %cond3A_72 {
          %ge3A_88 = arith.constant 4 : i32
          %ge3A_89 = arith.cmpi sge, %scan3A_55, %ge3A_88 : i32
          %convert_element_type3A_90 = arith.extui %ge3A_89 : i1 to i32
          %cond3A_91 = arith.constant 0 : i32
          %cond3A_92 = arith.cmpi ne, %convert_element_type3A_90, %cond3A_91 : i32
          scf.if %cond3A_92 {
            %dma_wait3A_102 = arith.constant 0 : i32
            %dma_wait3A_103 = arith.constant 0 : i32
            %dma_wait3A_104 = tpu.memref_slice %arg5[%dma_wait3A_102, %dma_wait3A_103] : memref<32x2048xf32, #tpu.memory_space<vmem>> -> memref<8x2048xf32, #tpu.memory_space<vmem>>
            %dma_wait3A_105 = arith.constant 0 : i32
            %dma_wait3A_106 = tpu.memref_slice %arg4[%add3A_67, %dma_wait3A_105] : memref<16384x2048xf32, #tpu.memory_space<hbm>> -> memref<8x2048xf32, #tpu.memory_space<hbm>>
            %dma_wait3A_107 = arith.constant 0 : i32
            %dma_wait3A_108 = tpu.memref_slice %arg4[%add3A_67, %dma_wait3A_107] : memref<16384x2048xf32, #tpu.memory_space<hbm>> -> memref<8x2048xf32, #tpu.memory_space<hbm>>
            %dma_wait3A_109 = arith.constant 0 : i32
            %dma_wait3A_110 = arith.constant 0 : i32
            %dma_wait3A_111 = tpu.memref_slice %arg5[%dma_wait3A_109, %dma_wait3A_110] : memref<32x2048xf32, #tpu.memory_space<vmem>> -> memref<8x2048xf32, #tpu.memory_space<vmem>>
            tpu.wait_dma2 semaphore(%arg12 : memref<!tpu.dma_semaphore, #tpu.memory_space<semaphore_mem>>) src(%dma_wait3A_111 : memref<8x2048xf32, #tpu.memory_space<vmem>>) dst(%dma_wait3A_108 : memref<8x2048xf32, #tpu.memory_space<hbm>>)
          } else {
          }
          %dma_start3A = arith.constant 0 : i32
          %dma_start3A_93 = arith.constant 0 : i32
          %dma_start3A_94 = tpu.memref_slice %arg5[%dma_start3A, %dma_start3A_93] : memref<32x2048xf32, #tpu.memory_space<vmem>> -> memref<8x2048xf32, #tpu.memory_space<vmem>>
          %dma_start3A_95 = arith.constant 0 : i32
          %dma_start3A_96 = tpu.memref_slice %arg2[%add3A_67, %dma_start3A_95] : memref<16384x2048xf32, #tpu.memory_space<hbm>> -> memref<8x2048xf32, #tpu.memory_space<hbm>>
          %dma_start3A_97 = arith.constant 0 : i32
          %dma_start3A_98 = arith.constant 0 : i32
          %dma_start3A_99 = tpu.memref_slice %arg5[%dma_start3A_97, %dma_start3A_98] : memref<32x2048xf32, #tpu.memory_space<vmem>> -> memref<8x2048xf32, #tpu.memory_space<vmem>>
          %dma_start3A_100 = arith.constant 0 : i32
          %dma_start3A_101 = tpu.memref_slice %arg2[%add3A_67, %dma_start3A_100] : memref<16384x2048xf32, #tpu.memory_space<hbm>> -> memref<8x2048xf32, #tpu.memory_space<hbm>>
          tpu.enqueue_dma source(%dma_start3A_101 : memref<8x2048xf32, #tpu.memory_space<hbm>>) target(%dma_start3A_99 : memref<8x2048xf32, #tpu.memory_space<vmem>>) target_semaphore(%arg8 : memref<!tpu.dma_semaphore, #tpu.memory_space<semaphore_mem>>)
        } else {
        }
        %eq3A_73 = arith.constant 1 : i32
        %eq3A_74 = arith.cmpi eq, %and3A_56, %eq3A_73 : i32
        %convert_element_type3A_75 = arith.extui %eq3A_74 : i1 to i32
        %cond3A_76 = arith.constant 0 : i32
        %cond3A_77 = arith.cmpi ne, %convert_element_type3A_75, %cond3A_76 : i32
        scf.if %cond3A_77 {
          %ge3A_88 = arith.constant 4 : i32
          %ge3A_89 = arith.cmpi sge, %scan3A_55, %ge3A_88 : i32
          %convert_element_type3A_90 = arith.extui %ge3A_89 : i1 to i32
          %cond3A_91 = arith.constant 0 : i32
          %cond3A_92 = arith.cmpi ne, %convert_element_type3A_90, %cond3A_91 : i32
          scf.if %cond3A_92 {
            %dma_wait3A_102 = arith.constant 8 : i32
            %dma_wait3A_103 = arith.constant 0 : i32
            %dma_wait3A_104 = tpu.memref_slice %arg5[%dma_wait3A_102, %dma_wait3A_103] : memref<32x2048xf32, #tpu.memory_space<vmem>> -> memref<8x2048xf32, #tpu.memory_space<vmem>>
            %dma_wait3A_105 = arith.constant 0 : i32
            %dma_wait3A_106 = tpu.memref_slice %arg4[%add3A_67, %dma_wait3A_105] : memref<16384x2048xf32, #tpu.memory_space<hbm>> -> memref<8x2048xf32, #tpu.memory_space<hbm>>
            %dma_wait3A_107 = arith.constant 0 : i32
            %dma_wait3A_108 = tpu.memref_slice %arg4[%add3A_67, %dma_wait3A_107] : memref<16384x2048xf32, #tpu.memory_space<hbm>> -> memref<8x2048xf32, #tpu.memory_space<hbm>>
            %dma_wait3A_109 = arith.constant 8 : i32
            %dma_wait3A_110 = arith.constant 0 : i32
            %dma_wait3A_111 = tpu.memref_slice %arg5[%dma_wait3A_109, %dma_wait3A_110] : memref<32x2048xf32, #tpu.memory_space<vmem>> -> memref<8x2048xf32, #tpu.memory_space<vmem>>
            tpu.wait_dma2 semaphore(%arg13 : memref<!tpu.dma_semaphore, #tpu.memory_space<semaphore_mem>>) src(%dma_wait3A_111 : memref<8x2048xf32, #tpu.memory_space<vmem>>) dst(%dma_wait3A_108 : memref<8x2048xf32, #tpu.memory_space<hbm>>)
          } else {
          }
          %dma_start3A = arith.constant 8 : i32
          %dma_start3A_93 = arith.constant 0 : i32
          %dma_start3A_94 = tpu.memref_slice %arg5[%dma_start3A, %dma_start3A_93] : memref<32x2048xf32, #tpu.memory_space<vmem>> -> memref<8x2048xf32, #tpu.memory_space<vmem>>
          %dma_start3A_95 = arith.constant 0 : i32
          %dma_start3A_96 = tpu.memref_slice %arg2[%add3A_67, %dma_start3A_95] : memref<16384x2048xf32, #tpu.memory_space<hbm>> -> memref<8x2048xf32, #tpu.memory_space<hbm>>
          %dma_start3A_97 = arith.constant 8 : i32
          %dma_start3A_98 = arith.constant 0 : i32
          %dma_start3A_99 = tpu.memref_slice %arg5[%dma_start3A_97, %dma_start3A_98] : memref<32x2048xf32, #tpu.memory_space<vmem>> -> memref<8x2048xf32, #tpu.memory_space<vmem>>
          %dma_start3A_100 = arith.constant 0 : i32
          %dma_start3A_101 = tpu.memref_slice %arg2[%add3A_67, %dma_start3A_100] : memref<16384x2048xf32, #tpu.memory_space<hbm>> -> memref<8x2048xf32, #tpu.memory_space<hbm>>
          tpu.enqueue_dma source(%dma_start3A_101 : memref<8x2048xf32, #tpu.memory_space<hbm>>) target(%dma_start3A_99 : memref<8x2048xf32, #tpu.memory_space<vmem>>) target_semaphore(%arg9 : memref<!tpu.dma_semaphore, #tpu.memory_space<semaphore_mem>>)
        } else {
        }
        %eq3A_78 = arith.constant 2 : i32
        %eq3A_79 = arith.cmpi eq, %and3A_56, %eq3A_78 : i32
        %convert_element_type3A_80 = arith.extui %eq3A_79 : i1 to i32
        %cond3A_81 = arith.constant 0 : i32
        %cond3A_82 = arith.cmpi ne, %convert_element_type3A_80, %cond3A_81 : i32
        scf.if %cond3A_82 {
          %ge3A_88 = arith.constant 4 : i32
          %ge3A_89 = arith.cmpi sge, %scan3A_55, %ge3A_88 : i32
          %convert_element_type3A_90 = arith.extui %ge3A_89 : i1 to i32
          %cond3A_91 = arith.constant 0 : i32
          %cond3A_92 = arith.cmpi ne, %convert_element_type3A_90, %cond3A_91 : i32
          scf.if %cond3A_92 {
            %dma_wait3A_102 = arith.constant 16 : i32
            %dma_wait3A_103 = arith.constant 0 : i32
            %dma_wait3A_104 = tpu.memref_slice %arg5[%dma_wait3A_102, %dma_wait3A_103] : memref<32x2048xf32, #tpu.memory_space<vmem>> -> memref<8x2048xf32, #tpu.memory_space<vmem>>
            %dma_wait3A_105 = arith.constant 0 : i32
            %dma_wait3A_106 = tpu.memref_slice %arg4[%add3A_67, %dma_wait3A_105] : memref<16384x2048xf32, #tpu.memory_space<hbm>> -> memref<8x2048xf32, #tpu.memory_space<hbm>>
            %dma_wait3A_107 = arith.constant 0 : i32
            %dma_wait3A_108 = tpu.memref_slice %arg4[%add3A_67, %dma_wait3A_107] : memref<16384x2048xf32, #tpu.memory_space<hbm>> -> memref<8x2048xf32, #tpu.memory_space<hbm>>
            %dma_wait3A_109 = arith.constant 16 : i32
            %dma_wait3A_110 = arith.constant 0 : i32
            %dma_wait3A_111 = tpu.memref_slice %arg5[%dma_wait3A_109, %dma_wait3A_110] : memref<32x2048xf32, #tpu.memory_space<vmem>> -> memref<8x2048xf32, #tpu.memory_space<vmem>>
            tpu.wait_dma2 semaphore(%arg14 : memref<!tpu.dma_semaphore, #tpu.memory_space<semaphore_mem>>) src(%dma_wait3A_111 : memref<8x2048xf32, #tpu.memory_space<vmem>>) dst(%dma_wait3A_108 : memref<8x2048xf32, #tpu.memory_space<hbm>>)
          } else {
          }
          %dma_start3A = arith.constant 16 : i32
          %dma_start3A_93 = arith.constant 0 : i32
          %dma_start3A_94 = tpu.memref_slice %arg5[%dma_start3A, %dma_start3A_93] : memref<32x2048xf32, #tpu.memory_space<vmem>> -> memref<8x2048xf32, #tpu.memory_space<vmem>>
          %dma_start3A_95 = arith.constant 0 : i32
          %dma_start3A_96 = tpu.memref_slice %arg2[%add3A_67, %dma_start3A_95] : memref<16384x2048xf32, #tpu.memory_space<hbm>> -> memref<8x2048xf32, #tpu.memory_space<hbm>>
          %dma_start3A_97 = arith.constant 16 : i32
          %dma_start3A_98 = arith.constant 0 : i32
          %dma_start3A_99 = tpu.memref_slice %arg5[%dma_start3A_97, %dma_start3A_98] : memref<32x2048xf32, #tpu.memory_space<vmem>> -> memref<8x2048xf32, #tpu.memory_space<vmem>>
          %dma_start3A_100 = arith.constant 0 : i32
          %dma_start3A_101 = tpu.memref_slice %arg2[%add3A_67, %dma_start3A_100] : memref<16384x2048xf32, #tpu.memory_space<hbm>> -> memref<8x2048xf32, #tpu.memory_space<hbm>>
          tpu.enqueue_dma source(%dma_start3A_101 : memref<8x2048xf32, #tpu.memory_space<hbm>>) target(%dma_start3A_99 : memref<8x2048xf32, #tpu.memory_space<vmem>>) target_semaphore(%arg10 : memref<!tpu.dma_semaphore, #tpu.memory_space<semaphore_mem>>)
        } else {
        }
        %eq3A_83 = arith.constant 3 : i32
        %eq3A_84 = arith.cmpi eq, %and3A_56, %eq3A_83 : i32
        %convert_element_type3A_85 = arith.extui %eq3A_84 : i1 to i32
        %cond3A_86 = arith.constant 0 : i32
        %cond3A_87 = arith.cmpi ne, %convert_element_type3A_85, %cond3A_86 : i32
        scf.if %cond3A_87 {
          %ge3A_88 = arith.constant 4 : i32
          %ge3A_89 = arith.cmpi sge, %scan3A_55, %ge3A_88 : i32
          %convert_element_type3A_90 = arith.extui %ge3A_89 : i1 to i32
          %cond3A_91 = arith.constant 0 : i32
          %cond3A_92 = arith.cmpi ne, %convert_element_type3A_90, %cond3A_91 : i32
          scf.if %cond3A_92 {
            %dma_wait3A_102 = arith.constant 24 : i32
            %dma_wait3A_103 = arith.constant 0 : i32
            %dma_wait3A_104 = tpu.memref_slice %arg5[%dma_wait3A_102, %dma_wait3A_103] : memref<32x2048xf32, #tpu.memory_space<vmem>> -> memref<8x2048xf32, #tpu.memory_space<vmem>>
            %dma_wait3A_105 = arith.constant 0 : i32
            %dma_wait3A_106 = tpu.memref_slice %arg4[%add3A_67, %dma_wait3A_105] : memref<16384x2048xf32, #tpu.memory_space<hbm>> -> memref<8x2048xf32, #tpu.memory_space<hbm>>
            %dma_wait3A_107 = arith.constant 0 : i32
            %dma_wait3A_108 = tpu.memref_slice %arg4[%add3A_67, %dma_wait3A_107] : memref<16384x2048xf32, #tpu.memory_space<hbm>> -> memref<8x2048xf32, #tpu.memory_space<hbm>>
            %dma_wait3A_109 = arith.constant 24 : i32
            %dma_wait3A_110 = arith.constant 0 : i32
            %dma_wait3A_111 = tpu.memref_slice %arg5[%dma_wait3A_109, %dma_wait3A_110] : memref<32x2048xf32, #tpu.memory_space<vmem>> -> memref<8x2048xf32, #tpu.memory_space<vmem>>
            tpu.wait_dma2 semaphore(%arg15 : memref<!tpu.dma_semaphore, #tpu.memory_space<semaphore_mem>>) src(%dma_wait3A_111 : memref<8x2048xf32, #tpu.memory_space<vmem>>) dst(%dma_wait3A_108 : memref<8x2048xf32, #tpu.memory_space<hbm>>)
          } else {
          }
          %dma_start3A = arith.constant 24 : i32
          %dma_start3A_93 = arith.constant 0 : i32
          %dma_start3A_94 = tpu.memref_slice %arg5[%dma_start3A, %dma_start3A_93] : memref<32x2048xf32, #tpu.memory_space<vmem>> -> memref<8x2048xf32, #tpu.memory_space<vmem>>
          %dma_start3A_95 = arith.constant 0 : i32
          %dma_start3A_96 = tpu.memref_slice %arg2[%add3A_67, %dma_start3A_95] : memref<16384x2048xf32, #tpu.memory_space<hbm>> -> memref<8x2048xf32, #tpu.memory_space<hbm>>
          %dma_start3A_97 = arith.constant 24 : i32
          %dma_start3A_98 = arith.constant 0 : i32
          %dma_start3A_99 = tpu.memref_slice %arg5[%dma_start3A_97, %dma_start3A_98] : memref<32x2048xf32, #tpu.memory_space<vmem>> -> memref<8x2048xf32, #tpu.memory_space<vmem>>
          %dma_start3A_100 = arith.constant 0 : i32
          %dma_start3A_101 = tpu.memref_slice %arg2[%add3A_67, %dma_start3A_100] : memref<16384x2048xf32, #tpu.memory_space<hbm>> -> memref<8x2048xf32, #tpu.memory_space<hbm>>
          tpu.enqueue_dma source(%dma_start3A_101 : memref<8x2048xf32, #tpu.memory_space<hbm>>) target(%dma_start3A_99 : memref<8x2048xf32, #tpu.memory_space<vmem>>) target_semaphore(%arg11 : memref<!tpu.dma_semaphore, #tpu.memory_space<semaphore_mem>>)
        } else {
        }
      } else {
      }
      %ge3A = arith.constant 2 : i32
      %ge3A_61 = arith.cmpi sge, %scan3A_55, %ge3A : i32
      %convert_element_type3A_62 = arith.extui %ge3A_61 : i1 to i32
      %cond3A_63 = arith.constant 0 : i32
      %cond3A_64 = arith.cmpi ne, %convert_element_type3A_62, %cond3A_63 : i32
      scf.if %cond3A_64 {
        %sub3A = arith.constant 2 : i32
        %sub3A_65 = arith.subi %scan3A_55, %sub3A : i32
        %and3A_66 = arith.constant 3 : i32
        %and3A_67 = arith.andi %sub3A_65, %and3A_66 : i32
        %mul3A_68 = arith.constant 8 : i32
        %mul3A_69 = arith.muli %sub3A_65, %mul3A_68 : i32
        %add3A_70 = arith.addi %mul3A_2, %mul3A_69 : i32
        %eq3A_71 = arith.constant 0 : i32
        %eq3A_72 = arith.cmpi eq, %and3A_67, %eq3A_71 : i32
        %convert_element_type3A_73 = arith.extui %eq3A_72 : i1 to i32
        %cond3A_74 = arith.constant 0 : i32
        %cond3A_75 = arith.cmpi ne, %convert_element_type3A_73, %cond3A_74 : i32
        scf.if %cond3A_75 {
          %dma_wait3A_168 = arith.constant 0 : i32
          %dma_wait3A_169 = arith.constant 0 : i32
          %dma_wait3A_170 = tpu.memref_slice %arg5[%dma_wait3A_168, %dma_wait3A_169] : memref<32x2048xf32, #tpu.memory_space<vmem>> -> memref<8x2048xf32, #tpu.memory_space<vmem>>
          %dma_wait3A_171 = arith.constant 0 : i32
          %dma_wait3A_172 = tpu.memref_slice %arg2[%add3A_70, %dma_wait3A_171] : memref<16384x2048xf32, #tpu.memory_space<hbm>> -> memref<8x2048xf32, #tpu.memory_space<hbm>>
          %dma_wait3A_173 = arith.constant 0 : i32
          %dma_wait3A_174 = arith.constant 0 : i32
          %dma_wait3A_175 = tpu.memref_slice %arg5[%dma_wait3A_173, %dma_wait3A_174] : memref<32x2048xf32, #tpu.memory_space<vmem>> -> memref<8x2048xf32, #tpu.memory_space<vmem>>
          %dma_wait3A_176 = arith.constant 0 : i32
          %dma_wait3A_177 = tpu.memref_slice %arg2[%add3A_70, %dma_wait3A_176] : memref<16384x2048xf32, #tpu.memory_space<hbm>> -> memref<8x2048xf32, #tpu.memory_space<hbm>>
          tpu.wait_dma2 semaphore(%arg8 : memref<!tpu.dma_semaphore, #tpu.memory_space<semaphore_mem>>) src(%dma_wait3A_177 : memref<8x2048xf32, #tpu.memory_space<hbm>>) dst(%dma_wait3A_175 : memref<8x2048xf32, #tpu.memory_space<vmem>>)
        } else {
        }
        %eq3A_76 = arith.constant 1 : i32
        %eq3A_77 = arith.cmpi eq, %and3A_67, %eq3A_76 : i32
        %convert_element_type3A_78 = arith.extui %eq3A_77 : i1 to i32
        %cond3A_79 = arith.constant 0 : i32
        %cond3A_80 = arith.cmpi ne, %convert_element_type3A_78, %cond3A_79 : i32
        scf.if %cond3A_80 {
          %dma_wait3A_168 = arith.constant 8 : i32
          %dma_wait3A_169 = arith.constant 0 : i32
          %dma_wait3A_170 = tpu.memref_slice %arg5[%dma_wait3A_168, %dma_wait3A_169] : memref<32x2048xf32, #tpu.memory_space<vmem>> -> memref<8x2048xf32, #tpu.memory_space<vmem>>
          %dma_wait3A_171 = arith.constant 0 : i32
          %dma_wait3A_172 = tpu.memref_slice %arg2[%add3A_70, %dma_wait3A_171] : memref<16384x2048xf32, #tpu.memory_space<hbm>> -> memref<8x2048xf32, #tpu.memory_space<hbm>>
          %dma_wait3A_173 = arith.constant 8 : i32
          %dma_wait3A_174 = arith.constant 0 : i32
          %dma_wait3A_175 = tpu.memref_slice %arg5[%dma_wait3A_173, %dma_wait3A_174] : memref<32x2048xf32, #tpu.memory_space<vmem>> -> memref<8x2048xf32, #tpu.memory_space<vmem>>
          %dma_wait3A_176 = arith.constant 0 : i32
          %dma_wait3A_177 = tpu.memref_slice %arg2[%add3A_70, %dma_wait3A_176] : memref<16384x2048xf32, #tpu.memory_space<hbm>> -> memref<8x2048xf32, #tpu.memory_space<hbm>>
          tpu.wait_dma2 semaphore(%arg9 : memref<!tpu.dma_semaphore, #tpu.memory_space<semaphore_mem>>) src(%dma_wait3A_177 : memref<8x2048xf32, #tpu.memory_space<hbm>>) dst(%dma_wait3A_175 : memref<8x2048xf32, #tpu.memory_space<vmem>>)
        } else {
        }
        %eq3A_81 = arith.constant 2 : i32
        %eq3A_82 = arith.cmpi eq, %and3A_67, %eq3A_81 : i32
        %convert_element_type3A_83 = arith.extui %eq3A_82 : i1 to i32
        %cond3A_84 = arith.constant 0 : i32
        %cond3A_85 = arith.cmpi ne, %convert_element_type3A_83, %cond3A_84 : i32
        scf.if %cond3A_85 {
          %dma_wait3A_168 = arith.constant 16 : i32
          %dma_wait3A_169 = arith.constant 0 : i32
          %dma_wait3A_170 = tpu.memref_slice %arg5[%dma_wait3A_168, %dma_wait3A_169] : memref<32x2048xf32, #tpu.memory_space<vmem>> -> memref<8x2048xf32, #tpu.memory_space<vmem>>
          %dma_wait3A_171 = arith.constant 0 : i32
          %dma_wait3A_172 = tpu.memref_slice %arg2[%add3A_70, %dma_wait3A_171] : memref<16384x2048xf32, #tpu.memory_space<hbm>> -> memref<8x2048xf32, #tpu.memory_space<hbm>>
          %dma_wait3A_173 = arith.constant 16 : i32
          %dma_wait3A_174 = arith.constant 0 : i32
          %dma_wait3A_175 = tpu.memref_slice %arg5[%dma_wait3A_173, %dma_wait3A_174] : memref<32x2048xf32, #tpu.memory_space<vmem>> -> memref<8x2048xf32, #tpu.memory_space<vmem>>
          %dma_wait3A_176 = arith.constant 0 : i32
          %dma_wait3A_177 = tpu.memref_slice %arg2[%add3A_70, %dma_wait3A_176] : memref<16384x2048xf32, #tpu.memory_space<hbm>> -> memref<8x2048xf32, #tpu.memory_space<hbm>>
          tpu.wait_dma2 semaphore(%arg10 : memref<!tpu.dma_semaphore, #tpu.memory_space<semaphore_mem>>) src(%dma_wait3A_177 : memref<8x2048xf32, #tpu.memory_space<hbm>>) dst(%dma_wait3A_175 : memref<8x2048xf32, #tpu.memory_space<vmem>>)
        } else {
        }
        %eq3A_86 = arith.constant 3 : i32
        %eq3A_87 = arith.cmpi eq, %and3A_67, %eq3A_86 : i32
        %convert_element_type3A_88 = arith.extui %eq3A_87 : i1 to i32
        %cond3A_89 = arith.constant 0 : i32
        %cond3A_90 = arith.cmpi ne, %convert_element_type3A_88, %cond3A_89 : i32
        scf.if %cond3A_90 {
          %dma_wait3A_168 = arith.constant 24 : i32
          %dma_wait3A_169 = arith.constant 0 : i32
          %dma_wait3A_170 = tpu.memref_slice %arg5[%dma_wait3A_168, %dma_wait3A_169] : memref<32x2048xf32, #tpu.memory_space<vmem>> -> memref<8x2048xf32, #tpu.memory_space<vmem>>
          %dma_wait3A_171 = arith.constant 0 : i32
          %dma_wait3A_172 = tpu.memref_slice %arg2[%add3A_70, %dma_wait3A_171] : memref<16384x2048xf32, #tpu.memory_space<hbm>> -> memref<8x2048xf32, #tpu.memory_space<hbm>>
          %dma_wait3A_173 = arith.constant 24 : i32
          %dma_wait3A_174 = arith.constant 0 : i32
          %dma_wait3A_175 = tpu.memref_slice %arg5[%dma_wait3A_173, %dma_wait3A_174] : memref<32x2048xf32, #tpu.memory_space<vmem>> -> memref<8x2048xf32, #tpu.memory_space<vmem>>
          %dma_wait3A_176 = arith.constant 0 : i32
          %dma_wait3A_177 = tpu.memref_slice %arg2[%add3A_70, %dma_wait3A_176] : memref<16384x2048xf32, #tpu.memory_space<hbm>> -> memref<8x2048xf32, #tpu.memory_space<hbm>>
          tpu.wait_dma2 semaphore(%arg11 : memref<!tpu.dma_semaphore, #tpu.memory_space<semaphore_mem>>) src(%dma_wait3A_177 : memref<8x2048xf32, #tpu.memory_space<hbm>>) dst(%dma_wait3A_175 : memref<8x2048xf32, #tpu.memory_space<vmem>>)
        } else {
        }
        %mul3A_91 = arith.constant 8 : i32
        %mul3A_92 = arith.muli %sub3A_65, %mul3A_91 : i32
        %get3A = arith.index_cast %mul3A_92 : i32 to index
        %get3A_93 = tpu.vector_load %arg6[%get3A] {strides = array<i32>} : memref<528xi32, #tpu.memory_space<vmem>>, vector<16xi32>,
        %get3A_94 = vector.shape_cast %get3A_93 : vector<16xi32> to vector<16xi32>
        %slice3A = vector.extract_strided_slice %get3A_94 {offsets = [0], sizes = [1], strides = [1]} : vector<16xi32> to vector<1xi32>
        %squeeze3A = vector.extract %slice3A[0] : i32 from vector<1xi32>
        %ne3A = arith.constant 0 : i32
        %ne3A_95 = arith.cmpi ne, %squeeze3A, %ne3A : i32
        %convert_element_type3A_96 = arith.extui %ne3A_95 : i1 to i32
        %cond3A_97 = arith.constant 0 : i32
        %cond3A_98 = arith.cmpi ne, %convert_element_type3A_96, %cond3A_97 : i32
        scf.if %cond3A_98 {
          %mul3A_168 = arith.constant 8 : i32
          %mul3A_169 = arith.muli %and3A_67, %mul3A_168 : i32
          %add3A_170 = arith.constant 0 : i32
          %add3A_171 = arith.addi %mul3A_169, %add3A_170 : i32
          "tpu.region"() ({
            %run_scoped3A = tpu.sem_alloc : memref<!tpu.dma_semaphore, #tpu.memory_space<semaphore_mem>>
            %dma_start3A = arith.constant 0 : i32
            %dma_start3A_172 = tpu.memref_slice %arg5[%add3A_171, %dma_start3A] : memref<32x2048xf32, #tpu.memory_space<vmem>> -> memref<1x2048xf32, #tpu.memory_space<vmem>>
            %dma_start3A_173 = tpu.memref_squeeze %dma_start3A_172 : memref<1x2048xf32, #tpu.memory_space<vmem>> -> memref<2048xf32, #tpu.memory_space<vmem>>
            %dma_start3A_174 = arith.constant 0 : i32
            %dma_start3A_175 = tpu.memref_slice %arg5[%add3A_171, %dma_start3A_174] : memref<32x2048xf32, #tpu.memory_space<vmem>> -> memref<1x2048xf32, #tpu.memory_space<vmem>>
            %dma_start3A_176 = tpu.memref_squeeze %dma_start3A_175 : memref<1x2048xf32, #tpu.memory_space<vmem>> -> memref<2048xf32, #tpu.memory_space<vmem>>
            tpu.enqueue_dma source(%arg7 : memref<2048xf32, #tpu.memory_space<vmem_shared>>) target(%dma_start3A_176 : memref<2048xf32, #tpu.memory_space<vmem>>) target_semaphore(%run_scoped3A : memref<!tpu.dma_semaphore, #tpu.memory_space<semaphore_mem>>)
            %dma_wait3A_177 = arith.constant 0 : i32
            %dma_wait3A_178 = tpu.memref_slice %arg5[%add3A_171, %dma_wait3A_177] : memref<32x2048xf32, #tpu.memory_space<vmem>> -> memref<1x2048xf32, #tpu.memory_space<vmem>>
            %dma_wait3A_179 = tpu.memref_squeeze %dma_wait3A_178 : memref<1x2048xf32, #tpu.memory_space<vmem>> -> memref<2048xf32, #tpu.memory_space<vmem>>
            %dma_wait3A_180 = arith.constant 0 : i32
            %dma_wait3A_181 = tpu.memref_slice %arg5[%add3A_171, %dma_wait3A_180] : memref<32x2048xf32, #tpu.memory_space<vmem>> -> memref<1x2048xf32, #tpu.memory_space<vmem>>
            %dma_wait3A_182 = tpu.memref_squeeze %dma_wait3A_181 : memref<1x2048xf32, #tpu.memory_space<vmem>> -> memref<2048xf32, #tpu.memory_space<vmem>>
            tpu.wait_dma2 semaphore(%run_scoped3A : memref<!tpu.dma_semaphore, #tpu.memory_space<semaphore_mem>>) src(%arg7 : memref<2048xf32, #tpu.memory_space<vmem_shared>>) dst(%dma_wait3A_182 : memref<2048xf32, #tpu.memory_space<vmem>>)
            tpu.yield
          }) : () -> ()
        } else {
        }
        %slice3A_99 = vector.extract_strided_slice %get3A_94 {offsets = [1], sizes = [1], strides = [1]} : vector<16xi32> to vector<1xi32>
        %squeeze3A_100 = vector.extract %slice3A_99[0] : i32 from vector<1xi32>
        %ne3A_101 = arith.constant 0 : i32
        %ne3A_102 = arith.cmpi ne, %squeeze3A_100, %ne3A_101 : i32
        %convert_element_type3A_103 = arith.extui %ne3A_102 : i1 to i32
        %cond3A_104 = arith.constant 0 : i32
        %cond3A_105 = arith.cmpi ne, %convert_element_type3A_103, %cond3A_104 : i32
        scf.if %cond3A_105 {
          %mul3A_168 = arith.constant 8 : i32
          %mul3A_169 = arith.muli %and3A_67, %mul3A_168 : i32
          %add3A_170 = arith.constant 1 : i32
          %add3A_171 = arith.addi %mul3A_169, %add3A_170 : i32
          "tpu.region"() ({
            %run_scoped3A = tpu.sem_alloc : memref<!tpu.dma_semaphore, #tpu.memory_space<semaphore_mem>>
            %dma_start3A = arith.constant 0 : i32
            %dma_start3A_172 = tpu.memref_slice %arg5[%add3A_171, %dma_start3A] : memref<32x2048xf32, #tpu.memory_space<vmem>> -> memref<1x2048xf32, #tpu.memory_space<vmem>>
            %dma_start3A_173 = tpu.memref_squeeze %dma_start3A_172 : memref<1x2048xf32, #tpu.memory_space<vmem>> -> memref<2048xf32, #tpu.memory_space<vmem>>
            %dma_start3A_174 = arith.constant 0 : i32
            %dma_start3A_175 = tpu.memref_slice %arg5[%add3A_171, %dma_start3A_174] : memref<32x2048xf32, #tpu.memory_space<vmem>> -> memref<1x2048xf32, #tpu.memory_space<vmem>>
            %dma_start3A_176 = tpu.memref_squeeze %dma_start3A_175 : memref<1x2048xf32, #tpu.memory_space<vmem>> -> memref<2048xf32, #tpu.memory_space<vmem>>
            tpu.enqueue_dma source(%arg7 : memref<2048xf32, #tpu.memory_space<vmem_shared>>) target(%dma_start3A_176 : memref<2048xf32, #tpu.memory_space<vmem>>) target_semaphore(%run_scoped3A : memref<!tpu.dma_semaphore, #tpu.memory_space<semaphore_mem>>)
            %dma_wait3A_177 = arith.constant 0 : i32
            %dma_wait3A_178 = tpu.memref_slice %arg5[%add3A_171, %dma_wait3A_177] : memref<32x2048xf32, #tpu.memory_space<vmem>> -> memref<1x2048xf32, #tpu.memory_space<vmem>>
            %dma_wait3A_179 = tpu.memref_squeeze %dma_wait3A_178 : memref<1x2048xf32, #tpu.memory_space<vmem>> -> memref<2048xf32, #tpu.memory_space<vmem>>
            %dma_wait3A_180 = arith.constant 0 : i32
            %dma_wait3A_181 = tpu.memref_slice %arg5[%add3A_171, %dma_wait3A_180] : memref<32x2048xf32, #tpu.memory_space<vmem>> -> memref<1x2048xf32, #tpu.memory_space<vmem>>
            %dma_wait3A_182 = tpu.memref_squeeze %dma_wait3A_181 : memref<1x2048xf32, #tpu.memory_space<vmem>> -> memref<2048xf32, #tpu.memory_space<vmem>>
            tpu.wait_dma2 semaphore(%run_scoped3A : memref<!tpu.dma_semaphore, #tpu.memory_space<semaphore_mem>>) src(%arg7 : memref<2048xf32, #tpu.memory_space<vmem_shared>>) dst(%dma_wait3A_182 : memref<2048xf32, #tpu.memory_space<vmem>>)
            tpu.yield
          }) : () -> ()
        } else {
        }
        %slice3A_106 = vector.extract_strided_slice %get3A_94 {offsets = [2], sizes = [1], strides = [1]} : vector<16xi32> to vector<1xi32>
        %squeeze3A_107 = vector.extract %slice3A_106[0] : i32 from vector<1xi32>
        %ne3A_108 = arith.constant 0 : i32
        %ne3A_109 = arith.cmpi ne, %squeeze3A_107, %ne3A_108 : i32
        %convert_element_type3A_110 = arith.extui %ne3A_109 : i1 to i32
        %cond3A_111 = arith.constant 0 : i32
        %cond3A_112 = arith.cmpi ne, %convert_element_type3A_110, %cond3A_111 : i32
        scf.if %cond3A_112 {
          %mul3A_168 = arith.constant 8 : i32
          %mul3A_169 = arith.muli %and3A_67, %mul3A_168 : i32
          %add3A_170 = arith.constant 2 : i32
          %add3A_171 = arith.addi %mul3A_169, %add3A_170 : i32
          "tpu.region"() ({
            %run_scoped3A = tpu.sem_alloc : memref<!tpu.dma_semaphore, #tpu.memory_space<semaphore_mem>>
            %dma_start3A = arith.constant 0 : i32
            %dma_start3A_172 = tpu.memref_slice %arg5[%add3A_171, %dma_start3A] : memref<32x2048xf32, #tpu.memory_space<vmem>> -> memref<1x2048xf32, #tpu.memory_space<vmem>>
            %dma_start3A_173 = tpu.memref_squeeze %dma_start3A_172 : memref<1x2048xf32, #tpu.memory_space<vmem>> -> memref<2048xf32, #tpu.memory_space<vmem>>
            %dma_start3A_174 = arith.constant 0 : i32
            %dma_start3A_175 = tpu.memref_slice %arg5[%add3A_171, %dma_start3A_174] : memref<32x2048xf32, #tpu.memory_space<vmem>> -> memref<1x2048xf32, #tpu.memory_space<vmem>>
            %dma_start3A_176 = tpu.memref_squeeze %dma_start3A_175 : memref<1x2048xf32, #tpu.memory_space<vmem>> -> memref<2048xf32, #tpu.memory_space<vmem>>
            tpu.enqueue_dma source(%arg7 : memref<2048xf32, #tpu.memory_space<vmem_shared>>) target(%dma_start3A_176 : memref<2048xf32, #tpu.memory_space<vmem>>) target_semaphore(%run_scoped3A : memref<!tpu.dma_semaphore, #tpu.memory_space<semaphore_mem>>)
            %dma_wait3A_177 = arith.constant 0 : i32
            %dma_wait3A_178 = tpu.memref_slice %arg5[%add3A_171, %dma_wait3A_177] : memref<32x2048xf32, #tpu.memory_space<vmem>> -> memref<1x2048xf32, #tpu.memory_space<vmem>>
            %dma_wait3A_179 = tpu.memref_squeeze %dma_wait3A_178 : memref<1x2048xf32, #tpu.memory_space<vmem>> -> memref<2048xf32, #tpu.memory_space<vmem>>
            %dma_wait3A_180 = arith.constant 0 : i32
            %dma_wait3A_181 = tpu.memref_slice %arg5[%add3A_171, %dma_wait3A_180] : memref<32x2048xf32, #tpu.memory_space<vmem>> -> memref<1x2048xf32, #tpu.memory_space<vmem>>
            %dma_wait3A_182 = tpu.memref_squeeze %dma_wait3A_181 : memref<1x2048xf32, #tpu.memory_space<vmem>> -> memref<2048xf32, #tpu.memory_space<vmem>>
            tpu.wait_dma2 semaphore(%run_scoped3A : memref<!tpu.dma_semaphore, #tpu.memory_space<semaphore_mem>>) src(%arg7 : memref<2048xf32, #tpu.memory_space<vmem_shared>>) dst(%dma_wait3A_182 : memref<2048xf32, #tpu.memory_space<vmem>>)
            tpu.yield
          }) : () -> ()
        } else {
        }
        %slice3A_113 = vector.extract_strided_slice %get3A_94 {offsets = [3], sizes = [1], strides = [1]} : vector<16xi32> to vector<1xi32>
        %squeeze3A_114 = vector.extract %slice3A_113[0] : i32 from vector<1xi32>
        %ne3A_115 = arith.constant 0 : i32
        %ne3A_116 = arith.cmpi ne, %squeeze3A_114, %ne3A_115 : i32
        %convert_element_type3A_117 = arith.extui %ne3A_116 : i1 to i32
        %cond3A_118 = arith.constant 0 : i32
        %cond3A_119 = arith.cmpi ne, %convert_element_type3A_117, %cond3A_118 : i32
        scf.if %cond3A_119 {
          %mul3A_168 = arith.constant 8 : i32
          %mul3A_169 = arith.muli %and3A_67, %mul3A_168 : i32
          %add3A_170 = arith.constant 3 : i32
          %add3A_171 = arith.addi %mul3A_169, %add3A_170 : i32
          "tpu.region"() ({
            %run_scoped3A = tpu.sem_alloc : memref<!tpu.dma_semaphore, #tpu.memory_space<semaphore_mem>>
            %dma_start3A = arith.constant 0 : i32
            %dma_start3A_172 = tpu.memref_slice %arg5[%add3A_171, %dma_start3A] : memref<32x2048xf32, #tpu.memory_space<vmem>> -> memref<1x2048xf32, #tpu.memory_space<vmem>>
            %dma_start3A_173 = tpu.memref_squeeze %dma_start3A_172 : memref<1x2048xf32, #tpu.memory_space<vmem>> -> memref<2048xf32, #tpu.memory_space<vmem>>
            %dma_start3A_174 = arith.constant 0 : i32
            %dma_start3A_175 = tpu.memref_slice %arg5[%add3A_171, %dma_start3A_174] : memref<32x2048xf32, #tpu.memory_space<vmem>> -> memref<1x2048xf32, #tpu.memory_space<vmem>>
            %dma_start3A_176 = tpu.memref_squeeze %dma_start3A_175 : memref<1x2048xf32, #tpu.memory_space<vmem>> -> memref<2048xf32, #tpu.memory_space<vmem>>
            tpu.enqueue_dma source(%arg7 : memref<2048xf32, #tpu.memory_space<vmem_shared>>) target(%dma_start3A_176 : memref<2048xf32, #tpu.memory_space<vmem>>) target_semaphore(%run_scoped3A : memref<!tpu.dma_semaphore, #tpu.memory_space<semaphore_mem>>)
            %dma_wait3A_177 = arith.constant 0 : i32
            %dma_wait3A_178 = tpu.memref_slice %arg5[%add3A_171, %dma_wait3A_177] : memref<32x2048xf32, #tpu.memory_space<vmem>> -> memref<1x2048xf32, #tpu.memory_space<vmem>>
            %dma_wait3A_179 = tpu.memref_squeeze %dma_wait3A_178 : memref<1x2048xf32, #tpu.memory_space<vmem>> -> memref<2048xf32, #tpu.memory_space<vmem>>
            %dma_wait3A_180 = arith.constant 0 : i32
            %dma_wait3A_181 = tpu.memref_slice %arg5[%add3A_171, %dma_wait3A_180] : memref<32x2048xf32, #tpu.memory_space<vmem>> -> memref<1x2048xf32, #tpu.memory_space<vmem>>
            %dma_wait3A_182 = tpu.memref_squeeze %dma_wait3A_181 : memref<1x2048xf32, #tpu.memory_space<vmem>> -> memref<2048xf32, #tpu.memory_space<vmem>>
            tpu.wait_dma2 semaphore(%run_scoped3A : memref<!tpu.dma_semaphore, #tpu.memory_space<semaphore_mem>>) src(%arg7 : memref<2048xf32, #tpu.memory_space<vmem_shared>>) dst(%dma_wait3A_182 : memref<2048xf32, #tpu.memory_space<vmem>>)
            tpu.yield
          }) : () -> ()
        } else {
        }
        %slice3A_120 = vector.extract_strided_slice %get3A_94 {offsets = [4], sizes = [1], strides = [1]} : vector<16xi32> to vector<1xi32>
        %squeeze3A_121 = vector.extract %slice3A_120[0] : i32 from vector<1xi32>
        %ne3A_122 = arith.constant 0 : i32
        %ne3A_123 = arith.cmpi ne, %squeeze3A_121, %ne3A_122 : i32
        %convert_element_type3A_124 = arith.extui %ne3A_123 : i1 to i32
        %cond3A_125 = arith.constant 0 : i32
        %cond3A_126 = arith.cmpi ne, %convert_element_type3A_124, %cond3A_125 : i32
        scf.if %cond3A_126 {
          %mul3A_168 = arith.constant 8 : i32
          %mul3A_169 = arith.muli %and3A_67, %mul3A_168 : i32
          %add3A_170 = arith.constant 4 : i32
          %add3A_171 = arith.addi %mul3A_169, %add3A_170 : i32
          "tpu.region"() ({
            %run_scoped3A = tpu.sem_alloc : memref<!tpu.dma_semaphore, #tpu.memory_space<semaphore_mem>>
            %dma_start3A = arith.constant 0 : i32
            %dma_start3A_172 = tpu.memref_slice %arg5[%add3A_171, %dma_start3A] : memref<32x2048xf32, #tpu.memory_space<vmem>> -> memref<1x2048xf32, #tpu.memory_space<vmem>>
            %dma_start3A_173 = tpu.memref_squeeze %dma_start3A_172 : memref<1x2048xf32, #tpu.memory_space<vmem>> -> memref<2048xf32, #tpu.memory_space<vmem>>
            %dma_start3A_174 = arith.constant 0 : i32
            %dma_start3A_175 = tpu.memref_slice %arg5[%add3A_171, %dma_start3A_174] : memref<32x2048xf32, #tpu.memory_space<vmem>> -> memref<1x2048xf32, #tpu.memory_space<vmem>>
            %dma_start3A_176 = tpu.memref_squeeze %dma_start3A_175 : memref<1x2048xf32, #tpu.memory_space<vmem>> -> memref<2048xf32, #tpu.memory_space<vmem>>
            tpu.enqueue_dma source(%arg7 : memref<2048xf32, #tpu.memory_space<vmem_shared>>) target(%dma_start3A_176 : memref<2048xf32, #tpu.memory_space<vmem>>) target_semaphore(%run_scoped3A : memref<!tpu.dma_semaphore, #tpu.memory_space<semaphore_mem>>)
            %dma_wait3A_177 = arith.constant 0 : i32
            %dma_wait3A_178 = tpu.memref_slice %arg5[%add3A_171, %dma_wait3A_177] : memref<32x2048xf32, #tpu.memory_space<vmem>> -> memref<1x2048xf32, #tpu.memory_space<vmem>>
            %dma_wait3A_179 = tpu.memref_squeeze %dma_wait3A_178 : memref<1x2048xf32, #tpu.memory_space<vmem>> -> memref<2048xf32, #tpu.memory_space<vmem>>
            %dma_wait3A_180 = arith.constant 0 : i32
            %dma_wait3A_181 = tpu.memref_slice %arg5[%add3A_171, %dma_wait3A_180] : memref<32x2048xf32, #tpu.memory_space<vmem>> -> memref<1x2048xf32, #tpu.memory_space<vmem>>
            %dma_wait3A_182 = tpu.memref_squeeze %dma_wait3A_181 : memref<1x2048xf32, #tpu.memory_space<vmem>> -> memref<2048xf32, #tpu.memory_space<vmem>>
            tpu.wait_dma2 semaphore(%run_scoped3A : memref<!tpu.dma_semaphore, #tpu.memory_space<semaphore_mem>>) src(%arg7 : memref<2048xf32, #tpu.memory_space<vmem_shared>>) dst(%dma_wait3A_182 : memref<2048xf32, #tpu.memory_space<vmem>>)
            tpu.yield
          }) : () -> ()
        } else {
        }
        %slice3A_127 = vector.extract_strided_slice %get3A_94 {offsets = [5], sizes = [1], strides = [1]} : vector<16xi32> to vector<1xi32>
        %squeeze3A_128 = vector.extract %slice3A_127[0] : i32 from vector<1xi32>
        %ne3A_129 = arith.constant 0 : i32
        %ne3A_130 = arith.cmpi ne, %squeeze3A_128, %ne3A_129 : i32
        %convert_element_type3A_131 = arith.extui %ne3A_130 : i1 to i32
        %cond3A_132 = arith.constant 0 : i32
        %cond3A_133 = arith.cmpi ne, %convert_element_type3A_131, %cond3A_132 : i32
        scf.if %cond3A_133 {
          %mul3A_168 = arith.constant 8 : i32
          %mul3A_169 = arith.muli %and3A_67, %mul3A_168 : i32
          %add3A_170 = arith.constant 5 : i32
          %add3A_171 = arith.addi %mul3A_169, %add3A_170 : i32
          "tpu.region"() ({
            %run_scoped3A = tpu.sem_alloc : memref<!tpu.dma_semaphore, #tpu.memory_space<semaphore_mem>>
            %dma_start3A = arith.constant 0 : i32
            %dma_start3A_172 = tpu.memref_slice %arg5[%add3A_171, %dma_start3A] : memref<32x2048xf32, #tpu.memory_space<vmem>> -> memref<1x2048xf32, #tpu.memory_space<vmem>>
            %dma_start3A_173 = tpu.memref_squeeze %dma_start3A_172 : memref<1x2048xf32, #tpu.memory_space<vmem>> -> memref<2048xf32, #tpu.memory_space<vmem>>
            %dma_start3A_174 = arith.constant 0 : i32
            %dma_start3A_175 = tpu.memref_slice %arg5[%add3A_171, %dma_start3A_174] : memref<32x2048xf32, #tpu.memory_space<vmem>> -> memref<1x2048xf32, #tpu.memory_space<vmem>>
            %dma_start3A_176 = tpu.memref_squeeze %dma_start3A_175 : memref<1x2048xf32, #tpu.memory_space<vmem>> -> memref<2048xf32, #tpu.memory_space<vmem>>
            tpu.enqueue_dma source(%arg7 : memref<2048xf32, #tpu.memory_space<vmem_shared>>) target(%dma_start3A_176 : memref<2048xf32, #tpu.memory_space<vmem>>) target_semaphore(%run_scoped3A : memref<!tpu.dma_semaphore, #tpu.memory_space<semaphore_mem>>)
            %dma_wait3A_177 = arith.constant 0 : i32
            %dma_wait3A_178 = tpu.memref_slice %arg5[%add3A_171, %dma_wait3A_177] : memref<32x2048xf32, #tpu.memory_space<vmem>> -> memref<1x2048xf32, #tpu.memory_space<vmem>>
            %dma_wait3A_179 = tpu.memref_squeeze %dma_wait3A_178 : memref<1x2048xf32, #tpu.memory_space<vmem>> -> memref<2048xf32, #tpu.memory_space<vmem>>
            %dma_wait3A_180 = arith.constant 0 : i32
            %dma_wait3A_181 = tpu.memref_slice %arg5[%add3A_171, %dma_wait3A_180] : memref<32x2048xf32, #tpu.memory_space<vmem>> -> memref<1x2048xf32, #tpu.memory_space<vmem>>
            %dma_wait3A_182 = tpu.memref_squeeze %dma_wait3A_181 : memref<1x2048xf32, #tpu.memory_space<vmem>> -> memref<2048xf32, #tpu.memory_space<vmem>>
            tpu.wait_dma2 semaphore(%run_scoped3A : memref<!tpu.dma_semaphore, #tpu.memory_space<semaphore_mem>>) src(%arg7 : memref<2048xf32, #tpu.memory_space<vmem_shared>>) dst(%dma_wait3A_182 : memref<2048xf32, #tpu.memory_space<vmem>>)
            tpu.yield
          }) : () -> ()
        } else {
        }
        %slice3A_134 = vector.extract_strided_slice %get3A_94 {offsets = [6], sizes = [1], strides = [1]} : vector<16xi32> to vector<1xi32>
        %squeeze3A_135 = vector.extract %slice3A_134[0] : i32 from vector<1xi32>
        %ne3A_136 = arith.constant 0 : i32
        %ne3A_137 = arith.cmpi ne, %squeeze3A_135, %ne3A_136 : i32
        %convert_element_type3A_138 = arith.extui %ne3A_137 : i1 to i32
        %cond3A_139 = arith.constant 0 : i32
        %cond3A_140 = arith.cmpi ne, %convert_element_type3A_138, %cond3A_139 : i32
        scf.if %cond3A_140 {
          %mul3A_168 = arith.constant 8 : i32
          %mul3A_169 = arith.muli %and3A_67, %mul3A_168 : i32
          %add3A_170 = arith.constant 6 : i32
          %add3A_171 = arith.addi %mul3A_169, %add3A_170 : i32
          "tpu.region"() ({
            %run_scoped3A = tpu.sem_alloc : memref<!tpu.dma_semaphore, #tpu.memory_space<semaphore_mem>>
            %dma_start3A = arith.constant 0 : i32
            %dma_start3A_172 = tpu.memref_slice %arg5[%add3A_171, %dma_start3A] : memref<32x2048xf32, #tpu.memory_space<vmem>> -> memref<1x2048xf32, #tpu.memory_space<vmem>>
            %dma_start3A_173 = tpu.memref_squeeze %dma_start3A_172 : memref<1x2048xf32, #tpu.memory_space<vmem>> -> memref<2048xf32, #tpu.memory_space<vmem>>
            %dma_start3A_174 = arith.constant 0 : i32
            %dma_start3A_175 = tpu.memref_slice %arg5[%add3A_171, %dma_start3A_174] : memref<32x2048xf32, #tpu.memory_space<vmem>> -> memref<1x2048xf32, #tpu.memory_space<vmem>>
            %dma_start3A_176 = tpu.memref_squeeze %dma_start3A_175 : memref<1x2048xf32, #tpu.memory_space<vmem>> -> memref<2048xf32, #tpu.memory_space<vmem>>
            tpu.enqueue_dma source(%arg7 : memref<2048xf32, #tpu.memory_space<vmem_shared>>) target(%dma_start3A_176 : memref<2048xf32, #tpu.memory_space<vmem>>) target_semaphore(%run_scoped3A : memref<!tpu.dma_semaphore, #tpu.memory_space<semaphore_mem>>)
            %dma_wait3A_177 = arith.constant 0 : i32
            %dma_wait3A_178 = tpu.memref_slice %arg5[%add3A_171, %dma_wait3A_177] : memref<32x2048xf32, #tpu.memory_space<vmem>> -> memref<1x2048xf32, #tpu.memory_space<vmem>>
            %dma_wait3A_179 = tpu.memref_squeeze %dma_wait3A_178 : memref<1x2048xf32, #tpu.memory_space<vmem>> -> memref<2048xf32, #tpu.memory_space<vmem>>
            %dma_wait3A_180 = arith.constant 0 : i32
            %dma_wait3A_181 = tpu.memref_slice %arg5[%add3A_171, %dma_wait3A_180] : memref<32x2048xf32, #tpu.memory_space<vmem>> -> memref<1x2048xf32, #tpu.memory_space<vmem>>
            %dma_wait3A_182 = tpu.memref_squeeze %dma_wait3A_181 : memref<1x2048xf32, #tpu.memory_space<vmem>> -> memref<2048xf32, #tpu.memory_space<vmem>>
            tpu.wait_dma2 semaphore(%run_scoped3A : memref<!tpu.dma_semaphore, #tpu.memory_space<semaphore_mem>>) src(%arg7 : memref<2048xf32, #tpu.memory_space<vmem_shared>>) dst(%dma_wait3A_182 : memref<2048xf32, #tpu.memory_space<vmem>>)
            tpu.yield
          }) : () -> ()
        } else {
        }
        %slice3A_141 = vector.extract_strided_slice %get3A_94 {offsets = [7], sizes = [1], strides = [1]} : vector<16xi32> to vector<1xi32>
        %squeeze3A_142 = vector.extract %slice3A_141[0] : i32 from vector<1xi32>
        %ne3A_143 = arith.constant 0 : i32
        %ne3A_144 = arith.cmpi ne, %squeeze3A_142, %ne3A_143 : i32
        %convert_element_type3A_145 = arith.extui %ne3A_144 : i1 to i32
        %cond3A_146 = arith.constant 0 : i32
        %cond3A_147 = arith.cmpi ne, %convert_element_type3A_145, %cond3A_146 : i32
        scf.if %cond3A_147 {
          %mul3A_168 = arith.constant 8 : i32
          %mul3A_169 = arith.muli %and3A_67, %mul3A_168 : i32
          %add3A_170 = arith.constant 7 : i32
          %add3A_171 = arith.addi %mul3A_169, %add3A_170 : i32
          "tpu.region"() ({
            %run_scoped3A = tpu.sem_alloc : memref<!tpu.dma_semaphore, #tpu.memory_space<semaphore_mem>>
            %dma_start3A = arith.constant 0 : i32
            %dma_start3A_172 = tpu.memref_slice %arg5[%add3A_171, %dma_start3A] : memref<32x2048xf32, #tpu.memory_space<vmem>> -> memref<1x2048xf32, #tpu.memory_space<vmem>>
            %dma_start3A_173 = tpu.memref_squeeze %dma_start3A_172 : memref<1x2048xf32, #tpu.memory_space<vmem>> -> memref<2048xf32, #tpu.memory_space<vmem>>
            %dma_start3A_174 = arith.constant 0 : i32
            %dma_start3A_175 = tpu.memref_slice %arg5[%add3A_171, %dma_start3A_174] : memref<32x2048xf32, #tpu.memory_space<vmem>> -> memref<1x2048xf32, #tpu.memory_space<vmem>>
            %dma_start3A_176 = tpu.memref_squeeze %dma_start3A_175 : memref<1x2048xf32, #tpu.memory_space<vmem>> -> memref<2048xf32, #tpu.memory_space<vmem>>
            tpu.enqueue_dma source(%arg7 : memref<2048xf32, #tpu.memory_space<vmem_shared>>) target(%dma_start3A_176 : memref<2048xf32, #tpu.memory_space<vmem>>) target_semaphore(%run_scoped3A : memref<!tpu.dma_semaphore, #tpu.memory_space<semaphore_mem>>)
            %dma_wait3A_177 = arith.constant 0 : i32
            %dma_wait3A_178 = tpu.memref_slice %arg5[%add3A_171, %dma_wait3A_177] : memref<32x2048xf32, #tpu.memory_space<vmem>> -> memref<1x2048xf32, #tpu.memory_space<vmem>>
            %dma_wait3A_179 = tpu.memref_squeeze %dma_wait3A_178 : memref<1x2048xf32, #tpu.memory_space<vmem>> -> memref<2048xf32, #tpu.memory_space<vmem>>
            %dma_wait3A_180 = arith.constant 0 : i32
            %dma_wait3A_181 = tpu.memref_slice %arg5[%add3A_171, %dma_wait3A_180] : memref<32x2048xf32, #tpu.memory_space<vmem>> -> memref<1x2048xf32, #tpu.memory_space<vmem>>
            %dma_wait3A_182 = tpu.memref_squeeze %dma_wait3A_181 : memref<1x2048xf32, #tpu.memory_space<vmem>> -> memref<2048xf32, #tpu.memory_space<vmem>>
            tpu.wait_dma2 semaphore(%run_scoped3A : memref<!tpu.dma_semaphore, #tpu.memory_space<semaphore_mem>>) src(%arg7 : memref<2048xf32, #tpu.memory_space<vmem_shared>>) dst(%dma_wait3A_182 : memref<2048xf32, #tpu.memory_space<vmem>>)
            tpu.yield
          }) : () -> ()
        } else {
        }
        %eq3A_148 = arith.constant 0 : i32
        %eq3A_149 = arith.cmpi eq, %and3A_67, %eq3A_148 : i32
        %convert_element_type3A_150 = arith.extui %eq3A_149 : i1 to i32
        %cond3A_151 = arith.constant 0 : i32
        %cond3A_152 = arith.cmpi ne, %convert_element_type3A_150, %cond3A_151 : i32
        scf.if %cond3A_152 {
          %dma_start3A = arith.constant 0 : i32
          %dma_start3A_168 = arith.constant 0 : i32
          %dma_start3A_169 = tpu.memref_slice %arg5[%dma_start3A, %dma_start3A_168] : memref<32x2048xf32, #tpu.memory_space<vmem>> -> memref<8x2048xf32, #tpu.memory_space<vmem>>
          %dma_start3A_170 = arith.constant 0 : i32
          %dma_start3A_171 = tpu.memref_slice %arg4[%add3A_70, %dma_start3A_170] : memref<16384x2048xf32, #tpu.memory_space<hbm>> -> memref<8x2048xf32, #tpu.memory_space<hbm>>
          %dma_start3A_172 = arith.constant 0 : i32
          %dma_start3A_173 = tpu.memref_slice %arg4[%add3A_70, %dma_start3A_172] : memref<16384x2048xf32, #tpu.memory_space<hbm>> -> memref<8x2048xf32, #tpu.memory_space<hbm>>
          %dma_start3A_174 = arith.constant 0 : i32
          %dma_start3A_175 = arith.constant 0 : i32
          %dma_start3A_176 = tpu.memref_slice %arg5[%dma_start3A_174, %dma_start3A_175] : memref<32x2048xf32, #tpu.memory_space<vmem>> -> memref<8x2048xf32, #tpu.memory_space<vmem>>
          tpu.enqueue_dma source(%dma_start3A_176 : memref<8x2048xf32, #tpu.memory_space<vmem>>) target(%dma_start3A_173 : memref<8x2048xf32, #tpu.memory_space<hbm>>) target_semaphore(%arg12 : memref<!tpu.dma_semaphore, #tpu.memory_space<semaphore_mem>>)
        } else {
        }
        %eq3A_153 = arith.constant 1 : i32
        %eq3A_154 = arith.cmpi eq, %and3A_67, %eq3A_153 : i32
        %convert_element_type3A_155 = arith.extui %eq3A_154 : i1 to i32
        %cond3A_156 = arith.constant 0 : i32
        %cond3A_157 = arith.cmpi ne, %convert_element_type3A_155, %cond3A_156 : i32
        scf.if %cond3A_157 {
          %dma_start3A = arith.constant 8 : i32
          %dma_start3A_168 = arith.constant 0 : i32
          %dma_start3A_169 = tpu.memref_slice %arg5[%dma_start3A, %dma_start3A_168] : memref<32x2048xf32, #tpu.memory_space<vmem>> -> memref<8x2048xf32, #tpu.memory_space<vmem>>
          %dma_start3A_170 = arith.constant 0 : i32
          %dma_start3A_171 = tpu.memref_slice %arg4[%add3A_70, %dma_start3A_170] : memref<16384x2048xf32, #tpu.memory_space<hbm>> -> memref<8x2048xf32, #tpu.memory_space<hbm>>
          %dma_start3A_172 = arith.constant 0 : i32
          %dma_start3A_173 = tpu.memref_slice %arg4[%add3A_70, %dma_start3A_172] : memref<16384x2048xf32, #tpu.memory_space<hbm>> -> memref<8x2048xf32, #tpu.memory_space<hbm>>
          %dma_start3A_174 = arith.constant 8 : i32
          %dma_start3A_175 = arith.constant 0 : i32
          %dma_start3A_176 = tpu.memref_slice %arg5[%dma_start3A_174, %dma_start3A_175] : memref<32x2048xf32, #tpu.memory_space<vmem>> -> memref<8x2048xf32, #tpu.memory_space<vmem>>
          tpu.enqueue_dma source(%dma_start3A_176 : memref<8x2048xf32, #tpu.memory_space<vmem>>) target(%dma_start3A_173 : memref<8x2048xf32, #tpu.memory_space<hbm>>) target_semaphore(%arg13 : memref<!tpu.dma_semaphore, #tpu.memory_space<semaphore_mem>>)
        } else {
        }
        %eq3A_158 = arith.constant 2 : i32
        %eq3A_159 = arith.cmpi eq, %and3A_67, %eq3A_158 : i32
        %convert_element_type3A_160 = arith.extui %eq3A_159 : i1 to i32
        %cond3A_161 = arith.constant 0 : i32
        %cond3A_162 = arith.cmpi ne, %convert_element_type3A_160, %cond3A_161 : i32
        scf.if %cond3A_162 {
          %dma_start3A = arith.constant 16 : i32
          %dma_start3A_168 = arith.constant 0 : i32
          %dma_start3A_169 = tpu.memref_slice %arg5[%dma_start3A, %dma_start3A_168] : memref<32x2048xf32, #tpu.memory_space<vmem>> -> memref<8x2048xf32, #tpu.memory_space<vmem>>
          %dma_start3A_170 = arith.constant 0 : i32
          %dma_start3A_171 = tpu.memref_slice %arg4[%add3A_70, %dma_start3A_170] : memref<16384x2048xf32, #tpu.memory_space<hbm>> -> memref<8x2048xf32, #tpu.memory_space<hbm>>
          %dma_start3A_172 = arith.constant 0 : i32
          %dma_start3A_173 = tpu.memref_slice %arg4[%add3A_70, %dma_start3A_172] : memref<16384x2048xf32, #tpu.memory_space<hbm>> -> memref<8x2048xf32, #tpu.memory_space<hbm>>
          %dma_start3A_174 = arith.constant 16 : i32
          %dma_start3A_175 = arith.constant 0 : i32
          %dma_start3A_176 = tpu.memref_slice %arg5[%dma_start3A_174, %dma_start3A_175] : memref<32x2048xf32, #tpu.memory_space<vmem>> -> memref<8x2048xf32, #tpu.memory_space<vmem>>
          tpu.enqueue_dma source(%dma_start3A_176 : memref<8x2048xf32, #tpu.memory_space<vmem>>) target(%dma_start3A_173 : memref<8x2048xf32, #tpu.memory_space<hbm>>) target_semaphore(%arg14 : memref<!tpu.dma_semaphore, #tpu.memory_space<semaphore_mem>>)
        } else {
        }
        %eq3A_163 = arith.constant 3 : i32
        %eq3A_164 = arith.cmpi eq, %and3A_67, %eq3A_163 : i32
        %convert_element_type3A_165 = arith.extui %eq3A_164 : i1 to i32
        %cond3A_166 = arith.constant 0 : i32
        %cond3A_167 = arith.cmpi ne, %convert_element_type3A_165, %cond3A_166 : i32
        scf.if %cond3A_167 {
          %dma_start3A = arith.constant 24 : i32
          %dma_start3A_168 = arith.constant 0 : i32
          %dma_start3A_169 = tpu.memref_slice %arg5[%dma_start3A, %dma_start3A_168] : memref<32x2048xf32, #tpu.memory_space<vmem>> -> memref<8x2048xf32, #tpu.memory_space<vmem>>
          %dma_start3A_170 = arith.constant 0 : i32
          %dma_start3A_171 = tpu.memref_slice %arg4[%add3A_70, %dma_start3A_170] : memref<16384x2048xf32, #tpu.memory_space<hbm>> -> memref<8x2048xf32, #tpu.memory_space<hbm>>
          %dma_start3A_172 = arith.constant 0 : i32
          %dma_start3A_173 = tpu.memref_slice %arg4[%add3A_70, %dma_start3A_172] : memref<16384x2048xf32, #tpu.memory_space<hbm>> -> memref<8x2048xf32, #tpu.memory_space<hbm>>
          %dma_start3A_174 = arith.constant 24 : i32
          %dma_start3A_175 = arith.constant 0 : i32
          %dma_start3A_176 = tpu.memref_slice %arg5[%dma_start3A_174, %dma_start3A_175] : memref<32x2048xf32, #tpu.memory_space<vmem>> -> memref<8x2048xf32, #tpu.memory_space<vmem>>
          tpu.enqueue_dma source(%dma_start3A_176 : memref<8x2048xf32, #tpu.memory_space<vmem>>) target(%dma_start3A_173 : memref<8x2048xf32, #tpu.memory_space<hbm>>) target_semaphore(%arg15 : memref<!tpu.dma_semaphore, #tpu.memory_space<semaphore_mem>>)
        } else {
        }
      } else {
      }
    }
    %scan3A_15 = arith.constant 66 : i32
    %dma_wait3A = arith.constant 0 : i32
    %dma_wait3A_16 = arith.constant 0 : i32
    %dma_wait3A_17 = tpu.memref_slice %arg5[%dma_wait3A, %dma_wait3A_16] : memref<32x2048xf32, #tpu.memory_space<vmem>> -> memref<8x2048xf32, #tpu.memory_space<vmem>>
    %dma_wait3A_18 = arith.constant 0 : i32
    %dma_wait3A_19 = tpu.memref_slice %arg4[%mul3A_2, %dma_wait3A_18] : memref<16384x2048xf32, #tpu.memory_space<hbm>> -> memref<8x2048xf32, #tpu.memory_space<hbm>>
    %dma_wait3A_20 = arith.constant 0 : i32
    %dma_wait3A_21 = tpu.memref_slice %arg4[%mul3A_2, %dma_wait3A_20] : memref<16384x2048xf32, #tpu.memory_space<hbm>> -> memref<8x2048xf32, #tpu.memory_space<hbm>>
    %dma_wait3A_22 = arith.constant 0 : i32
    %dma_wait3A_23 = arith.constant 0 : i32
    %dma_wait3A_24 = tpu.memref_slice %arg5[%dma_wait3A_22, %dma_wait3A_23] : memref<32x2048xf32, #tpu.memory_space<vmem>> -> memref<8x2048xf32, #tpu.memory_space<vmem>>
    tpu.wait_dma2 semaphore(%arg12 : memref<!tpu.dma_semaphore, #tpu.memory_space<semaphore_mem>>) src(%dma_wait3A_24 : memref<8x2048xf32, #tpu.memory_space<vmem>>) dst(%dma_wait3A_21 : memref<8x2048xf32, #tpu.memory_space<hbm>>)
    %dma_wait3A_25 = arith.constant 8 : i32
    %dma_wait3A_26 = arith.constant 0 : i32
    %dma_wait3A_27 = tpu.memref_slice %arg5[%dma_wait3A_25, %dma_wait3A_26] : memref<32x2048xf32, #tpu.memory_space<vmem>> -> memref<8x2048xf32, #tpu.memory_space<vmem>>
    %dma_wait3A_28 = arith.constant 0 : i32
    %dma_wait3A_29 = tpu.memref_slice %arg4[%mul3A_2, %dma_wait3A_28] : memref<16384x2048xf32, #tpu.memory_space<hbm>> -> memref<8x2048xf32, #tpu.memory_space<hbm>>
    %dma_wait3A_30 = arith.constant 0 : i32
    %dma_wait3A_31 = tpu.memref_slice %arg4[%mul3A_2, %dma_wait3A_30] : memref<16384x2048xf32, #tpu.memory_space<hbm>> -> memref<8x2048xf32, #tpu.memory_space<hbm>>
    %dma_wait3A_32 = arith.constant 8 : i32
    %dma_wait3A_33 = arith.constant 0 : i32
    %dma_wait3A_34 = tpu.memref_slice %arg5[%dma_wait3A_32, %dma_wait3A_33] : memref<32x2048xf32, #tpu.memory_space<vmem>> -> memref<8x2048xf32, #tpu.memory_space<vmem>>
    tpu.wait_dma2 semaphore(%arg13 : memref<!tpu.dma_semaphore, #tpu.memory_space<semaphore_mem>>) src(%dma_wait3A_34 : memref<8x2048xf32, #tpu.memory_space<vmem>>) dst(%dma_wait3A_31 : memref<8x2048xf32, #tpu.memory_space<hbm>>)
    %dma_wait3A_35 = arith.constant 16 : i32
    %dma_wait3A_36 = arith.constant 0 : i32
    %dma_wait3A_37 = tpu.memref_slice %arg5[%dma_wait3A_35, %dma_wait3A_36] : memref<32x2048xf32, #tpu.memory_space<vmem>> -> memref<8x2048xf32, #tpu.memory_space<vmem>>
    %dma_wait3A_38 = arith.constant 0 : i32
    %dma_wait3A_39 = tpu.memref_slice %arg4[%mul3A_2, %dma_wait3A_38] : memref<16384x2048xf32, #tpu.memory_space<hbm>> -> memref<8x2048xf32, #tpu.memory_space<hbm>>
    %dma_wait3A_40 = arith.constant 0 : i32
    %dma_wait3A_41 = tpu.memref_slice %arg4[%mul3A_2, %dma_wait3A_40] : memref<16384x2048xf32, #tpu.memory_space<hbm>> -> memref<8x2048xf32, #tpu.memory_space<hbm>>
    %dma_wait3A_42 = arith.constant 16 : i32
    %dma_wait3A_43 = arith.constant 0 : i32
    %dma_wait3A_44 = tpu.memref_slice %arg5[%dma_wait3A_42, %dma_wait3A_43] : memref<32x2048xf32, #tpu.memory_space<vmem>> -> memref<8x2048xf32, #tpu.memory_space<vmem>>
    tpu.wait_dma2 semaphore(%arg14 : memref<!tpu.dma_semaphore, #tpu.memory_space<semaphore_mem>>) src(%dma_wait3A_44 : memref<8x2048xf32, #tpu.memory_space<vmem>>) dst(%dma_wait3A_41 : memref<8x2048xf32, #tpu.memory_space<hbm>>)
    %dma_wait3A_45 = arith.constant 24 : i32
    %dma_wait3A_46 = arith.constant 0 : i32
    %dma_wait3A_47 = tpu.memref_slice %arg5[%dma_wait3A_45, %dma_wait3A_46] : memref<32x2048xf32, #tpu.memory_space<vmem>> -> memref<8x2048xf32, #tpu.memory_space<vmem>>
    %dma_wait3A_48 = arith.constant 0 : i32
    %dma_wait3A_49 = tpu.memref_slice %arg4[%mul3A_2, %dma_wait3A_48] : memref<16384x2048xf32, #tpu.memory_space<hbm>> -> memref<8x2048xf32, #tpu.memory_space<hbm>>
    %dma_wait3A_50 = arith.constant 0 : i32
    %dma_wait3A_51 = tpu.memref_slice %arg4[%mul3A_2, %dma_wait3A_50] : memref<16384x2048xf32, #tpu.memory_space<hbm>> -> memref<8x2048xf32, #tpu.memory_space<hbm>>
    %dma_wait3A_52 = arith.constant 24 : i32
    %dma_wait3A_53 = arith.constant 0 : i32
    %dma_wait3A_54 = tpu.memref_slice %arg5[%dma_wait3A_52, %dma_wait3A_53] : memref<32x2048xf32, #tpu.memory_space<vmem>> -> memref<8x2048xf32, #tpu.memory_space<vmem>>
    tpu.wait_dma2 semaphore(%arg15 : memref<!tpu.dma_semaphore, #tpu.memory_space<semaphore_mem>>) src(%dma_wait3A_54 : memref<8x2048xf32, #tpu.memory_space<vmem>>) dst(%dma_wait3A_51 : memref<8x2048xf32, #tpu.memory_space<hbm>>)
    return
  }
}

</mosaic_0001>

<sc_bundles>
// kernel: kernel.3.cloned.1.call-start
scs
__scs_entry_jumppad:
0x0: {  	(pc) =	sbr.rel $0x88, $3  }
0x1: {  	(tag) =	ssettag $0x0;
	lr =	simm.s32 $0x1  }
0x2: {  	[smem:$0x3F9F] =	sst lr;
	_ =	strace $0xD0000000  }
0x3: {  	_ = 	snop  }
0x4: {  	_ = 	snop  }
0x5: {  	_ = 	snop  }
0x6: {  	_ = 	snop  }
0x7: {  	_ = 	snop  }
__scs_overlays_trampoline_lowered:
0x8: {  	[smem:$0x3FAE] =	sst s0  }
0x9: {  	[smem:$0x3FAF] =	sst s1  }
0xa: {  	[smem:$0x3FB0] =	sst s2  }
0xb: {  	[smem:$0x3FB1] =	sst s3  }
0xc: {  	[smem:$0x3FB2] =	sst s4  }
0xd: {  	[smem:$0x3FB3] =	sst s5  }
0xe: {  	[smem:$0x3FB4] =	sst s6  }
0xf: {  	[smem:$0x3FB5] =	sst s7  }
0x10: {  	[smem:$0x3FB6] =	sst s8  }
0x11: {  	[smem:$0x3FB7] =	sst s9;
	s0 =	simm.s32 @!p0 $0x0  }
0x12: {  	s1 =	sld [smem:$0x3F9D];
	s0 =	simm.s32 @p0 $0x1  }
0x13: {  	[smem:$0x3FB8] =	sst s0;
	s0 =	simm.s32 @!p1 $0x0  }
0x14: {  	s2 =	sld [smem:$0x3F9C];
	s0 =	simm.s32 @p1 $0x1  }
0x15: {  	[smem:$0x3FB9] =	sst s0;
	s0 =	simm.s32 @!p2 $0x0  }
0x16: {  	s3 =	sld [smem:$0x3FDB];
	s0 =	simm.s32 @p2 $0x1  }
0x17: {  	s4 =	simm.s32 $0x1BF5;
	[smem:$0x3FBB] =	sst s0  }
0x18: {  	s0 =	sld [smem:$0x3F9E];
	_ =	swait.ge [sflag:s4], $0x0  }
0x19: {  	s7 =	sld [smem:$0x3F9F]  }
0x1a: {  	s8 =	sadd.s32 $0xFFFFE003, lr  }
0x1b: {  	s9 =	sadd.s32 $0xFFFFFEF7, lr;
	s5 =	simm.s32 $0xFFFFFFFF;
	p2 =	slt.u32 s8, $0xFFFFF086  }
0x1c: {  	p1 =	slt.u32 s9, $0xF7A;
	s5 =	simm.s32 @!p2 $0x0  }
0x1d: {  	s5 =	simm.s32 @p1 $0x1;
	p0 =	seq.s32 s7, s2  }
0x1e: {  	s7 =	smul.u32 @!p0 $0xF7A, s2;
	p2 =	seq.s32 @!p0 s5, $0x0  }
0x1f: {  	s9 =	smul.u32 $0xF7A, s1;
	s8 =	simm.s32 @!p0 $0x1BF5;
	p2 =	por !p2, p0  }
0x20: {  	[sflag:s8] =	ssyncset.s32 @!p0 $0xFFFFF086;
	s6 =	sadd.s32 @!p0 s3, s7;
	s7 =	simm.s32 @!p0 $0x108  }
0x21: {  	s3 =	sadd.s32 s3, s9;
	s6 =	sadd.s32 @!p0 $0x88, s6;
	s7 =	simm.s32 @p2 $0x1082  }
0x22: {  	[simem:s7], [sflag:s8] =	dma.local @!p0 [hbm:s6], $0xF7A  }
0x23: {  	s9 =	sor.u32 $0xD0000000, s2;
	s6 =	simm.s32 $0x108;
	_ =	swait.ge @!p0 [sflag:s8], $0x0  }
0x24: {  	s3 =	sadd.s32 $0x88, s3;
	s6 =	simm.s32 @!p1 $0x1082;
	[sflag:s4] =	ssyncset.s32 $0xFFFFF086  }
0x25: {  	[simem:s6], [sflag:s4] =	dma.local [hbm:s3], $0xF7A  }
0x26: {  	[smem:$0x3F9F] =	sst s1;
	(tag) =	ssettag s2;
	_ =	strace s9  }
0x27: {  	s1 =	sld [smem:$0x3FAF]  }
0x28: {  	s2 =	sld [smem:$0x3FB0]  }
0x29: {  	s4 =	sld [smem:$0x3FB2]  }
0x2a: {  	p0 =	seq.s32 s5, $0x0;
	s5 =	sld [smem:$0x3FB3]  }
0x2b: {  	s6 =	sld [smem:$0x3FB4]  }
0x2c: {  	s7 =	sld [smem:$0x3FB5]  }
0x2d: {  	s3 =	simm.s32 $0x108;
	s8 =	sld [smem:$0x3FB6]  }
0x2e: {  	s3 =	simm.s32 @!p0 $0x1082;
	s9 =	sld [smem:$0x3FB7]  }
0x2f: {  	lr =	sadd.s32 s0, s3;
	s0 =	sld [smem:$0x3FAE]  }
0x30: {  	s3 =	sld [smem:$0x3FB1]  }
0x31: {  	[smem:$0x3FBA] =	sst s10  }
0x32: {  	s10 =	sld [smem:$0x3FB8];
	_ =	sdelay $0x3  }
0x33: {  	p0 =	seq.s32 s10, $0x1;
	s10 =	sld [smem:$0x3FBA];
	_ =	sdelay $0x3  }
0x34: {  	[smem:$0x3FBA] =	sst s10  }
0x35: {  	s10 =	sld [smem:$0x3FB9];
	_ =	sdelay $0x3  }
0x36: {  	p1 =	seq.s32 s10, $0x1;
	s10 =	sld [smem:$0x3FBA];
	_ =	sdelay $0x3  }
0x37: {  	[smem:$0x3FBA] =	sst s10  }
0x38: {  	s10 =	sld [smem:$0x3FBB]  }
0x39: {  	_ = 	snop;
	(pc) =	sbr.ind lr, $3  }
0x3a: {  	_ = 	snop  }
0x3b: {  	_ = 	snop  }
0x3c: {  	p2 =	seq.s32 s10, $0x1;
	s10 =	sld [smem:$0x3FBA]  }
0x3d: {  	_ =	shalt  }
0x3e: {  	_ =	shalt  }
0x3f: {  	_ =	shalt  }
0x40: {  	_ =	shalt  }
0x41: {  	_ =	shalt  }
0x42: {  	_ =	shalt  }
0x43: {  	_ =	shalt  }
0x44: {  	_ =	shalt  }
0x45: {  	_ =	shalt  }
0x46: {  	_ =	shalt  }
0x47: {  	_ =	shalt  }
0x48: {  	_ =	shalt  }
0x49: {  	_ =	shalt  }
0x4a: {  	_ =	shalt  }
0x4b: {  	_ =	shalt  }
0x4c: {  	_ =	shalt  }
0x4d: {  	_ =	shalt  }
0x4e: {  	_ =	shalt  }
0x4f: {  	_ =	shalt  }
0x50: {  	_ =	shalt  }
0x51: {  	_ =	shalt  }
0x52: {  	_ =	shalt  }
0x53: {  	_ =	shalt  }
0x54: {  	_ =	shalt  }
0x55: {  	_ =	shalt  }
0x56: {  	_ =	shalt  }
0x57: {  	_ =	shalt  }
0x58: {  	_ =	shalt  }
0x59: {  	_ =	shalt  }
0x5a: {  	_ =	shalt  }
0x5b: {  	_ =	shalt  }
0x5c: {  	_ =	shalt  }
0x5d: {  	_ =	shalt  }
0x5e: {  	_ =	shalt  }
0x5f: {  	_ =	shalt  }
0x60: {  	_ =	shalt  }
0x61: {  	_ =	shalt  }
0x62: {  	_ =	shalt  }
0x63: {  	_ =	shalt  }
0x64: {  	_ =	shalt  }
0x65: {  	_ =	shalt  }
0x66: {  	_ =	shalt  }
0x67: {  	_ =	shalt  }
0x68: {  	_ =	shalt  }
0x69: {  	_ =	shalt  }
0x6a: {  	_ =	shalt  }
0x6b: {  	_ =	shalt  }
0x6c: {  	_ =	shalt  }
0x6d: {  	_ =	shalt  }
0x6e: {  	_ =	shalt  }
0x6f: {  	_ =	shalt  }
0x70: {  	_ =	shalt  }
0x71: {  	_ =	shalt  }
0x72: {  	_ =	shalt  }
0x73: {  	_ =	shalt  }
0x74: {  	_ =	shalt  }
0x75: {  	_ =	shalt  }
0x76: {  	_ =	shalt  }
0x77: {  	_ =	shalt  }
0x78: {  	_ =	shalt  }
0x79: {  	_ =	shalt  }
0x7a: {  	_ =	shalt  }
0x7b: {  	_ =	shalt  }
0x7c: {  	_ =	shalt  }
0x7d: {  	_ =	shalt  }
0x7e: {  	_ =	shalt  }
0x7f: {  	_ =	shalt  }
0x80: {  	_ =	shalt  }
0x81: {  	_ =	shalt  }
0x82: {  	_ =	shalt  }
0x83: {  	_ =	shalt  }
0x84: {  	_ =	shalt  }
0x85: {  	_ =	shalt  }
0x86: {  	_ =	shalt  }
0x87: {  	_ =	shalt  }
.Lfunc_end0:
.L_simem_size_0:
called_computation_lowered:
.L_overlay_start_0:
0x88: {  	s2 =	sld [smem:$0x3FD9]  }
0x89: {  	s3 =	sld [smem:$0x3FFE];
	_ =	sdelay $0x1  }
0x8a: {  	s1 =	srdreg.scid  }
0x8b: {  	s0 =	sand.u32 $0x1, s1  }
0x8c: {  	s18 =	sshll.u32 s0, $0xA;
	s2 =	sadd.s32 s3, s2  }
0x8d: {  	s2 =	sadd.s32 s2, s18  }
0x8e: {  	[smem:$0x3FC6] =	sst s2  }
0x8f: {  	_ = 	snop  }
0x90: {  	s2 =	sld [smem:$0x3FC9]  }
0x91: {  	s19 =	sld [smem:$0x3FC8]  }
0x92: {  	s4 =	sld [smem:$0x3FD0];
	(tm) =	ssettm $0x1  }
0x93: {  	s5 =	sld [smem:$0x3FFB];
	_ =	sdelay $0x3  }
0x94: {  	_ =	strace s5  }
0x95: {  	s5 =	sld [smem:$0x3FFC];
	_ =	sdelay $0x3  }
0x96: {  	_ =	strace s5  }
0x97: {  	s5 =	sld [smem:$0x3FFD];
	_ =	sdelay $0x3  }
0x98: {  	_ =	strace s5  }
0x99: {  	_ =	strace $0x8FFFFFFF  }
0x9a: {  	s20 =	sld [smem:$0x3FDB];
	_ =	sdelay $0x1  }
0x9b: {  	s6 =	simm.s32 $_scs_section_size  }
0x9c: {  	s7 =	simm.s32 $_size__tile_overlayer_lowered;
	s8 =	simm.s32 $_tile_overlayer_lowered  }
0x9d: {  	s23 =	simm.s32 $0x1BFF;
	s22 =	sshll.u32 s8, $0x1;
	s5 =	sadd.s32 s6, s20  }
0x9e: {  	s9 =	simm.s32 $0x0;
	s21 =	sshll.u32 s7, $0x1;
	s7 =	sadd.s32 s22, s5  }
0x9f: {  	[timem:s9], [sflag:s23] =	dma.local [hbm:s7], s21  }
0xa0: {  	_ =	swait.ge [sflag:s23], s21  }
0xa1: {  	s6 =	ssub.s32 $0x0, s21;
	[sflag:s23] =	ssyncset.done $0x0  }
0xa2: {  	[sflag:s23] =	ssyncadd.s32 s6;
	_ =	sdelay $0x1  }
0xa3: {  	s24 =	simm.s32 $0x1B8B  }
0xa4: {  	_ =	swait.ge [sflag:s24], $0x1  }
0xa5: {  	[sflag:s24] =	ssyncset.done $0x0  }
0xa6: {  	s25 =	simm.s32 $0x1B8E;
	[sflag:s24] =	ssyncadd.s32 $0xFFFFFFFF  }
0xa7: {  	s26 =	simm.s32 $execute0_lowered;
	[smem:$0x3FD2] =	sst s25  }
0xa8: {  	s6 =	sshll.u32 s26, $0x1;
	_ =	strace $0x80000046;
	[dreg:$0x1] =	wrdreg $0xFFFFFFFF  }
0xa9: {  	s28 =	simm.s32 $_size_execute0_lowered;
	s5 =	sadd.s32 s5, s6;
	[dreg:$0x0] =	wrdreg $0x0  }
0xaa: {  	s6 =	sshll.u32 s28, $0x1;
	[dreg:$0x2] =	wrdreg s5  }
0xab: {  	[dreg:$0x3] =	wrdreg s6  }
0xac: {  	[dreg:$0x4] =	wrdreg $0xC0  }
0xad: {  	_ =	task [dreg:s9], $0x5FFFF  }
0xae: {  	[dreg:$0x1] =	wrdreg $0xFFFFFFFF  }
0xaf: {  	[dreg:$0x0] =	wrdreg $0x60  }
0xb0: {  	[dreg:$0x2] =	wrdreg s2  }
0xb1: {  	[dreg:$0x3] =	wrdreg s19  }
0xb2: {  	[dreg:$0x4] =	wrdreg s4  }
0xb3: {  	[dreg:$0x5] =	wrdreg $0x102800  }
0xb4: {  	[dreg:$0x6] =	wrdreg $0x9  }
0xb5: {  	_ =	task.clear_ibuf [dreg:s9], $0x7FFFF;
	_ =	strace $0x90000046  }
0xb6: {  	s29 =	simm.s32 $0x9;
	_ =	strace $0x80000048  }
0xb7: {  	_ =	swait.ge [sflag:s29], $0x1  }
0xb8: {  	[sflag:s29] =	ssyncadd.s32 $0xFFFFFFFF  }
0xb9: {  	_ =	strace $0x90000048  }
0xba: {  	_ =	sfence  }
0xbb: {  	s30 =	sld [smem:$0x0];
	_ =	sdelay $0x2  }
0xbc: {  	s31 =	sshll.u32 s1, $0xD;
	s1 =	sshrl.u32 s1, $0x2  }
0xbd: {  	s3 =	sand.u32 $0x4000, s31;
	s1 =	sadd.s32 s1, s30  }
0xbe: {  	s0 =	sor.u32 s3, s0;
	s1 =	sshll.u32 s1, $0x11  }
0xbf: {  	s0 =	sor.u32 s1, s0  }
0xc0: {  	s0 =	sadd.s32 $0x8F2B, s0  }
0xc1: {  	[sflag:s0] =	ssyncadd.remote.s32 $0x1  }
0xc2: {  	_ =	sfence.sel $0xFFFF  }
0xc3: {  	[dreg:$0x0] =	wrdreg $0xFFFFFFFF;
	(pc) =	sbr.abs _section_cstart, $3  }
0xc4: {  	[dreg:$0x1] =	wrdreg $0xFFFFFFFF  }
0xc5: {  	_ =	task.clear_ibuf [dreg:s9], $0x2FFFF;
	_ =	strace $0x9FFFFFFF  }
0xc6: {  	(tm) =	ssettm $0x7FFFFFFF  }
0xc7: {  	_ =	shalt  }
tec
execute0_lowered:
.L_overlay_start_1:
0x0: {  	(tag) =	ssettag $0x1  }
0x1: {  	s0 =	rddreg [dreg:$0x0]  }
0x2: {  	s1 =	rddreg [dreg:$0x2]  }
0x3: {  	s2 =	rddreg [dreg:$0x3]  }
0x4: {  	s4 =	srdreg.scid;
	s3 =	simm.s32 $0x0;
	s21 =	stileid.u32  }
0x5: {  	s24 =	simm.s32 $0x5;
	s25 =	simm.s32 $0x6;
	s26 =	simm.s32 $0x7  }
0x6: {  	s28 =	simm.s32 $0x8;
	s4 =	sand.u32 $0x1, s4;
	[smem:$0x7FF] =	sst s3  }
0x7: {  	s20 =	sshll.u32 s21, $0xA;
	s7 =	sadd.s32 $0x180, s2;
	s8 =	sadd.s32 $0x200, s2  }
0x8: {  	s9 =	sadd.s32 $0x280, s2;
	s10 =	sadd.s32 $0x300, s2;
	s11 =	sadd.s32 $0x380, s2  }
0x9: {  	s12 =	sadd.s32 $0x400, s2;
	s13 =	sadd.s32 $0x480, s2;
	s14 =	sadd.s32 $0x500, s2  }
0xa: {  	s15 =	sadd.s32 $0x580, s2;
	s16 =	sadd.s32 $0x600, s2;
	s17 =	sadd.s32 $0x680, s2  }
0xb: {  	s18 =	sadd.s32 $0x700, s2;
	s19 =	sadd.s32 $0x780, s2;
	s31 =	sshll.u32 s21, $0x12  }
0xc: {  	p0 =	sne.s32 s21, $0x0;
	s5 =	ssub.s32 $0x2, s4;
	_ =	strace $0x80000047  }
0xd: {  	s22 =	sshll.u32 s4, $0x9;
	s0 =	sadd.s32 s31, s0;
	s4 =	sshll.u32 s4, $0x11  }
.Ltmp0:
0xe: {  	s1 =	sadd.s32 s31, s1;
	s6 =	sshrl.u32 s5, $0x1;
	(pc) =	sbr.rel .LBB2_1-.Ltmp0, $4  }
0xf: {  	s20 =	sor.u32 s22, s20;
	s0 =	sadd.s32 s4, s0;
	s1 =	sadd.s32 s4, s1  }
0x10: {  	s5 =	ssub.s32 s5, s6;
	[dreg:$0x6] =	wrdreg s0;
	s0 =	sshrl.u32 @!p0 s2, $0x3  }
0x11: {  	v0 =	vlaneseq.u32;
	s6 =	sadd.s32 $0x100, s2;
	s5 =	smax.u32 s5, $0x1;
	[dreg:$0x7] =	wrdreg s0  }
0x12: {  	v1 =	vimm.s32 $0x0;
	v0 =	vadd.s32 $0x2A, v0;
	s22 =	sadd.s32 $0xFFFFF000, s1;
	[dreg:$0x5] =	wrdreg s5;
	s5 =	sadd.s32 $0x80, s2  }
.LBB2_13:
0x13: {  	_ =	swait.ge [sflag:s24], $0x4000  }
0x14: {  	[sflag:s24] =	ssyncset.done $0x0  }
0x15: {  	[sflag:s24] =	ssyncadd.s32 $0xFFFFC000  }
0x16: {  	_ =	swait.ge [sflag:s25], $0x4000  }
0x17: {  	[sflag:s25] =	ssyncset.done $0x0  }
0x18: {  	[sflag:s25] =	ssyncadd.s32 $0xFFFFC000  }
0x19: {  	_ =	swait.ge [sflag:s26], $0x4000  }
0x1a: {  	[sflag:s26] =	ssyncset.done $0x0  }
0x1b: {  	[sflag:s26] =	ssyncadd.s32 $0xFFFFC000  }
0x1c: {  	_ =	swait.ge [sflag:s28], $0x4000  }
0x1d: {  	s3 =	sadd.s32 $0x1, s3;
	s0 =	rddreg [dreg:$0x5]  }
0x1e: {  	p1 =	sne.s32 s3, s0  }
.Ltmp1:
0x1f: {  	_ = 	snop;
	(pc) =	sbr.rel @!p1 .LBB2_14-.Ltmp1, $3  }
0x20: {  	_ =	sdelay $0x1  }
0x21: {  	[sflag:s28] =	ssyncset.done $0x0  }
0x22: {  	[sflag:s28] =	ssyncadd.s32 $0xFFFFC000  }
.LBB2_1:
0x23: {  	v2 =	vadd.s32 s20, v0  }
0x24: {  	v3 =	vshrl.u32 v2, $0x13;
	v4 =	vshll.u32 v2, $0xD  }
0x25: {  	v3 =	vor.u32 v3, v4  }
0x26: {  	v3 =	vxor.u32 v2, v3  }
0x27: {  	v4 =	vshrl.u32 v3, $0x11;
	v5 =	vshll.u32 v3, $0xF  }
0x28: {  	v2 =	vadd.s32 v2, v3;
	v3 =	vor.u32 v4, v5  }
0x29: {  	v3 =	vxor.u32 v2, v3  }
0x2a: {  	v4 =	vshrl.u32 v3, $0x6;
	v5 =	vshll.u32 v3, $0x1A  }
0x2b: {  	v2 =	vadd.s32 v2, v3;
	v3 =	vor.u32 v4, v5  }
0x2c: {  	v3 =	vxor.u32 v2, v3  }
0x2d: {  	v4 =	vshrl.u32 v3, $0x1A;
	v5 =	vshll.u32 v3, $0x6  }
0x2e: {  	v2 =	vadd.s32 v2, v3;
	v3 =	vor.u32 v4, v5  }
0x2f: {  	v3 =	vxor.u32 v2, v3  }
0x30: {  	v3 =	vadd.s32 $0x1BD11BF1, v3  }
0x31: {  	v2 =	vadd.s32 v3, v2;
	v4 =	vshrl.u32 v3, $0xF;
	v3 =	vshll.u32 v3, $0x11  }
0x32: {  	v2 =	vadd.s32 $0x2A, v2;
	v3 =	vor.u32 v4, v3  }
0x33: {  	v3 =	vxor.u32 v2, v3  }
0x34: {  	v4 =	vshrl.u32 v3, $0x3;
	v5 =	vshll.u32 v3, $0x1D  }
0x35: {  	v2 =	vadd.s32 v2, v3;
	v3 =	vor.u32 v4, v5  }
0x36: {  	v3 =	vxor.u32 v2, v3  }
0x37: {  	v4 =	vshrl.u32 v3, $0x10;
	v5 =	vshll.u32 v3, $0x10  }
0x38: {  	v2 =	vadd.s32 v2, v3;
	v3 =	vor.u32 v4, v5  }
0x39: {  	v3 =	vxor.u32 v2, v3  }
0x3a: {  	v4 =	vshrl.u32 v3, $0x8;
	v5 =	vshll.u32 v3, $0x18  }
0x3b: {  	v2 =	vadd.s32 v2, v3;
	v3 =	vor.u32 v4, v5  }
0x3c: {  	v3 =	vxor.u32 v2, v3  }
0x3d: {  	v3 =	vadd.s32 $0x2, v3  }
0x3e: {  	v2 =	vadd.s32 v3, v2;
	v4 =	vshrl.u32 v3, $0x13;
	v3 =	vshll.u32 v3, $0xD  }
0x3f: {  	s29 =	sadd.s32 $0x10, s20;
	v2 =	vadd.s32 $0x1BD11BF0, v2;
	v3 =	vor.u32 v4, v3  }
0x40: {  	v4 =	vadd.s32 s29, v0;
	v3 =	vxor.u32 v2, v3  }
0x41: {  	v5 =	vshrl.u32 v4, $0x13;
	v6 =	vshrl.u32 v3, $0x11;
	v7 =	vshll.u32 v3, $0xF  }
0x42: {  	v8 =	vshll.u32 v4, $0xD;
	v2 =	vadd.s32 v2, v3;
	v3 =	vor.u32 v6, v7  }
0x43: {  	s0 =	rddreg [dreg:$0x1];
	v5 =	vor.u32 v5, v8;
	v6 =	vxor.u32 v2, v3  }
0x44: {  	s1 =	simm.s32 @!p0 $0x1C09;
	s4 =	rddreg [dreg:$0x7];
	v5 =	vxor.u32 v4, v5;
	v7 =	vshrl.u32 v6, $0x6;
	v8 =	vshll.u32 v6, $0x1A  }
0x45: {  	[spmem:s4], [sflag:s1] =	dma.local @!p0 [hbm:s0], $0x100;
	v3 =	vadd.s32 v4, v5;
	v2 =	vadd.s32 v2, v6;
	v4 =	vor.u32 v7, v8  }
0x46: {  	s1 =	simm.s32 @!p0 $0x9;
	v6 =	vshrl.u32 v5, $0x11;
	v5 =	vshll.u32 v5, $0xF;
	v4 =	vxor.u32 v2, v4  }
0x47: {  	_ =	swait.ge @!p0 [sflag:s1], $0x100;
	v5 =	vor.u32 v6, v5;
	v6 =	vshrl.u32 v4, $0x1A;
	v7 =	vshll.u32 v4, $0x6  }
0x48: {  	s30 =	simm.s32 $0x80;
	[sflag:s1] =	ssyncset.done @!p0 $0x0;
	v5 =	vxor.u32 v3, v5;
	v2 =	vadd.s32 v2, v4;
	v4 =	vor.u32 v6, v7  }
0x49: {  	s21 =	simm.s32 $0x0;
	[sflag:s1] =	ssyncadd.s32 @!p0 $0xFFFFFF00;
	s1 =	simm.s32 $0x40;
	v6 =	vshrl.u32 v5, $0x6;
	v7 =	vshll.u32 v5, $0x1A;
	v4 =	vxor.u32 v2, v4  }
.LBB2_2:
0x4a: {  	p1 =	sne.s32 s30, $0x7C0;
	v3 =	vadd.s32 v3, v5;
	v5 =	vor.u32 v6, v7;
	v4 =	vadd.s32 $0x2D, v4  }
0x4b: {  	v5 =	vxor.u32 v3, v5;
	v6 =	vshrl.u32 v4, $0xF;
	v7 =	vshll.u32 v4, $0x11  }
0x4c: {  	v2 =	vadd.s32 v2, v4;
	v3 =	vadd.s32 v3, v5;
	v4 =	vor.u32 v6, v7  }
0x4d: {  	v6 =	vshrl.u32 v5, $0x1A;
	v5 =	vshll.u32 v5, $0x6;
	v4 =	vxor.u32 v2, v4  }
0x4e: {  	v5 =	vor.u32 v6, v5;
	v6 =	vshrl.u32 v4, $0x3;
	v7 =	vshll.u32 v4, $0x1D  }
0x4f: {  	v5 =	vxor.u32 v3, v5;
	v2 =	vadd.s32 v2, v4;
	v4 =	vor.u32 v6, v7  }
0x50: {  	v5 =	vadd.s32 $0x1BD11BF1, v5;
	v4 =	vxor.u32 v2, v4  }
0x51: {  	v3 =	vadd.s32 v5, v3;
	v6 =	vshrl.u32 v4, $0x10;
	v7 =	vshll.u32 v4, $0x10  }
0x52: {  	v8 =	vshrl.u32 v5, $0xF;
	v2 =	vadd.s32 v2, v4;
	v4 =	vor.u32 v6, v7  }
0x53: {  	v5 =	vshll.u32 v5, $0x11;
	v3 =	vadd.s32 $0x2A, v3;
	v4 =	vxor.u32 v2, v4  }
0x54: {  	v5 =	vor.u32 v8, v5;
	v6 =	vshrl.u32 v4, $0x8;
	v7 =	vshll.u32 v4, $0x18  }
0x55: {  	v5 =	vxor.u32 v3, v5;
	v2 =	vadd.s32 v2, v4;
	v4 =	vor.u32 v6, v7  }
0x56: {  	v6 =	vshrl.u32 v5, $0x3;
	v7 =	vshll.u32 v5, $0x1D;
	v4 =	vxor.u32 v2, v4  }
0x57: {  	v3 =	vadd.s32 v3, v5;
	v5 =	vor.u32 v6, v7;
	v4 =	vadd.s32 $0x1BD11BF4, v4  }
0x58: {  	v2 =	vadd.s32 v4, v2;
	v6 =	vshrl.u32 v4, $0x13;
	v4 =	vshll.u32 v4, $0xD  }
0x59: {  	v5 =	vxor.u32 v3, v5;
	v2 =	vadd.s32 $0x2A, v2;
	v4 =	vor.u32 v6, v4  }
0x5a: {  	v3 =	vadd.s32 v3, v5;
	v6 =	vshrl.u32 v5, $0x10;
	v4 =	vxor.u32 v2, v4  }
0x5b: {  	v5 =	vshll.u32 v5, $0x10;
	v7 =	vshrl.u32 v4, $0x11;
	v8 =	vshll.u32 v4, $0xF  }
0x5c: {  	s29 =	sadd.s32 $0x10, s29;
	v5 =	vor.u32 v6, v5;
	v2 =	vadd.s32 v2, v4;
	v4 =	vor.u32 v7, v8  }
0x5d: {  	v6 =	vadd.s32 s29, v0;
	v5 =	vxor.u32 v3, v5;
	v4 =	vxor.u32 v2, v4  }
0x5e: {  	v7 =	vshrl.u32 v5, $0x8;
	v8 =	vshrl.u32 v4, $0x6;
	v9 =	vshll.u32 v4, $0x1A  }
0x5f: {  	v10 =	vshll.u32 v5, $0x18;
	v2 =	vadd.s32 v2, v4;
	v4 =	vor.u32 v8, v9  }
0x60: {  	v3 =	vadd.s32 v3, v5;
	v5 =	vor.u32 v7, v10;
	v4 =	vxor.u32 v2, v4  }
0x61: {  	v5 =	vxor.u32 v3, v5;
	v7 =	vshrl.u32 v4, $0x1A;
	v8 =	vshll.u32 v4, $0x6  }
0x62: {  	v5 =	vadd.s32 $0x2, v5;
	v2 =	vadd.s32 v2, v4;
	v4 =	vor.u32 v7, v8  }
0x63: {  	v3 =	vadd.s32 v5, v3;
	v7 =	vshrl.u32 v5, $0x13;
	v4 =	vxor.u32 v2, v4  }
0x64: {  	v5 =	vshll.u32 v5, $0xD;
	v2 =	vadd.s32 $0x1BD11BF0, v2;
	v4 =	vadd.s32 $0x5, v4  }
0x65: {  	v3 =	vadd.s32 $0x1BD11BF0, v3;
	v5 =	vor.u32 v7, v5;
	v2 =	vxor.u32 v2, v4  }
0x66: {  	v5 =	vxor.u32 v3, v5;
	v4 =	vshrl.u32 v6, $0x13;
	vm0 =	vlt.u32 v2, $0x26666800  }
0x67: {  	s4 =	sshra.s32 s21, $0x2;
	s21 =	smov.u32 s1;
	s1 =	smov.u32 s30;
	v7 =	vshll.u32 v5, $0xF;
	v2 =	vshrl.u32 v5, $0x11;
	v8 =	vsel vm0, $0x1, v1  }
0x68: {  	v9 =	vshll.u32 v6, $0xD;
	v5 =	vadd.s32 v3, v5;
	v2 =	vor.u32 v2, v7;
	[tilespmem:s4+$0x10000] =	vst v8  }
0x69: {  	v3 =	vor.u32 v4, v9;
	v2 =	vxor.u32 v5, v2  }
0x6a: {  	v4 =	vxor.u32 v6, v3;
	v7 =	vshrl.u32 v2, $0x6;
	v8 =	vshll.u32 v2, $0x1A  }
.Ltmp2:
0x6b: {  	v3 =	vadd.s32 v6, v4;
	v2 =	vadd.s32 v5, v2;
	v5 =	vor.u32 v7, v8;
	(pc) =	sbr.rel @p1 .LBB2_2-.Ltmp2, $4  }
0x6c: {  	v6 =	vshrl.u32 v4, $0x11;
	v4 =	vshll.u32 v4, $0xF;
	v7 =	vxor.u32 v2, v5  }
0x6d: {  	v4 =	vor.u32 v6, v4;
	v6 =	vshrl.u32 v7, $0x1A;
	v8 =	vshll.u32 v7, $0x6  }
0x6e: {  	v5 =	vxor.u32 v3, v4;
	v2 =	vadd.s32 v2, v7;
	v4 =	vor.u32 v6, v8  }
0x6f: {  	s30 =	sadd.s32 $0x40, s30;
	v7 =	vshll.u32 v5, $0x1A;
	v6 =	vshrl.u32 v5, $0x6;
	v4 =	vxor.u32 v2, v4  }
0x70: {  	v3 =	vadd.s32 v3, v5;
	v54 =	vor.u32 v6, v7  }
0x71: {  	v5 =	vxor.u32 v3, v54  }
0x72: {  	v55 =	vshrl.u32 v5, $0x1A;
	v56 =	vshll.u32 v5, $0x6  }
0x73: {  	v3 =	vadd.s32 v3, v5;
	v57 =	vor.u32 v55, v56  }
0x74: {  	v5 =	vxor.u32 v3, v57  }
0x75: {  	v5 =	vadd.s32 $0x1BD11BF1, v5  }
0x76: {  	v3 =	vadd.s32 v5, v3;
	v58 =	vshrl.u32 v5, $0xF;
	v5 =	vshll.u32 v5, $0x11  }
0x77: {  	v3 =	vadd.s32 $0x2A, v3;
	v5 =	vor.u32 v58, v5  }
0x78: {  	v5 =	vxor.u32 v3, v5  }
0x79: {  	v59 =	vshrl.u32 v5, $0x3;
	v60 =	vshll.u32 v5, $0x1D  }
0x7a: {  	v3 =	vadd.s32 v3, v5;
	v61 =	vor.u32 v59, v60  }
0x7b: {  	v5 =	vxor.u32 v3, v61  }
0x7c: {  	v62 =	vshrl.u32 v5, $0x10;
	v63 =	vshll.u32 v5, $0x10  }
0x7d: {  	v3 =	vadd.s32 v3, v5;
	v8 =	vor.u32 v62, v63  }
0x7e: {  	v5 =	vxor.u32 v3, v8  }
0x7f: {  	v9 =	vshrl.u32 v5, $0x8;
	v10 =	vshll.u32 v5, $0x18  }
0x80: {  	v3 =	vadd.s32 v3, v5;
	v11 =	vor.u32 v9, v10  }
0x81: {  	v5 =	vxor.u32 v3, v11  }
0x82: {  	v5 =	vadd.s32 $0x2, v5  }
0x83: {  	v3 =	vadd.s32 v5, v3;
	v12 =	vshrl.u32 v5, $0x13;
	v5 =	vshll.u32 v5, $0xD  }
0x84: {  	v3 =	vadd.s32 $0x1BD11BF0, v3;
	v5 =	vor.u32 v12, v5  }
0x85: {  	v4 =	vadd.s32 $0x2D, v4;
	v5 =	vxor.u32 v3, v5  }
0x86: {  	v13 =	vshrl.u32 v4, $0xF;
	v14 =	vshrl.u32 v5, $0x11;
	v8 =	vshll.u32 v5, $0xF  }
0x87: {  	v9 =	vshll.u32 v4, $0x11;
	v3 =	vadd.s32 v3, v5;
	v15 =	vor.u32 v14, v8  }
0x88: {  	v2 =	vadd.s32 v2, v4;
	v16 =	vor.u32 v13, v9;
	v5 =	vxor.u32 v3, v15  }
0x89: {  	v4 =	vxor.u32 v2, v16;
	v17 =	vshrl.u32 v5, $0x6;
	v18 =	vshll.u32 v5, $0x1A  }
0x8a: {  	v19 =	vshrl.u32 v4, $0x3;
	v3 =	vadd.s32 v3, v5;
	v20 =	vor.u32 v17, v18  }
0x8b: {  	v21 =	vshll.u32 v4, $0x1D;
	v2 =	vadd.s32 v2, v4;
	v22 =	vxor.u32 v3, v20  }
0x8c: {  	v23 =	vor.u32 v19, v21;
	v24 =	vshrl.u32 v22, $0x1A;
	v25 =	vshll.u32 v22, $0x6  }
0x8d: {  	v5 =	vxor.u32 v2, v23;
	v3 =	vadd.s32 v3, v22;
	v26 =	vor.u32 v24, v25  }
0x8e: {  	v27 =	vshrl.u32 v5, $0x10;
	v28 =	vshll.u32 v5, $0x10;
	v4 =	vxor.u32 v3, v26  }
0x8f: {  	v2 =	vadd.s32 v2, v5;
	v29 =	vor.u32 v27, v28;
	v4 =	vadd.s32 $0x2D, v4  }
0x90: {  	v5 =	vxor.u32 v2, v29;
	v30 =	vshrl.u32 v4, $0xF;
	v31 =	vshll.u32 v4, $0x11  }
0x91: {  	v32 =	vshrl.u32 v5, $0x8;
	v3 =	vadd.s32 v3, v4;
	v33 =	vor.u32 v30, v31  }
0x92: {  	v34 =	vshll.u32 v5, $0x18;
	v2 =	vadd.s32 v2, v5;
	v4 =	vxor.u32 v3, v33  }
0x93: {  	v35 =	vor.u32 v32, v34;
	v36 =	vshrl.u32 v4, $0x3;
	v37 =	vshll.u32 v4, $0x1D  }
0x94: {  	v5 =	vxor.u32 v2, v35;
	v3 =	vadd.s32 v3, v4;
	v38 =	vor.u32 v36, v37  }
0x95: {  	v5 =	vadd.s32 $0x1BD11BF4, v5;
	v4 =	vxor.u32 v3, v38  }
0x96: {  	v2 =	vadd.s32 v5, v2;
	v39 =	vshrl.u32 v4, $0x10;
	v40 =	vshll.u32 v4, $0x10  }
0x97: {  	v41 =	vshrl.u32 v5, $0x13;
	v3 =	vadd.s32 v3, v4;
	v42 =	vor.u32 v39, v40  }
0x98: {  	v5 =	vshll.u32 v5, $0xD;
	v2 =	vadd.s32 $0x2A, v2;
	v4 =	vxor.u32 v3, v42  }
0x99: {  	v5 =	vor.u32 v41, v5;
	v43 =	vshrl.u32 v4, $0x8;
	v44 =	vshll.u32 v4, $0x18  }
0x9a: {  	v5 =	vxor.u32 v2, v5;
	v3 =	vadd.s32 v3, v4;
	v45 =	vor.u32 v43, v44  }
0x9b: {  	v46 =	vshrl.u32 v5, $0x11;
	v4 =	vxor.u32 v3, v45  }
0x9c: {  	v47 =	vshll.u32 v5, $0xF;
	v2 =	vadd.s32 v2, v5;
	v4 =	vadd.s32 $0x1BD11BF4, v4  }
0x9d: {  	v3 =	vadd.s32 v4, v3;
	v48 =	vshrl.u32 v4, $0x13;
	v4 =	vshll.u32 v4, $0xD  }
0x9e: {  	v6 =	vor.u32 v46, v47;
	v3 =	vadd.s32 $0x2A, v3;
	v4 =	vor.u32 v48, v4  }
0x9f: {  	v49 =	vxor.u32 v2, v6;
	v4 =	vxor.u32 v3, v4  }
0xa0: {  	v6 =	vshrl.u32 v49, $0x6;
	v50 =	vshrl.u32 v4, $0x11;
	v51 =	vshll.u32 v4, $0xF  }
0xa1: {  	v52 =	vshll.u32 v49, $0x1A;
	v3 =	vadd.s32 v3, v4;
	v53 =	vor.u32 v50, v51  }
0xa2: {  	v2 =	vadd.s32 v2, v49;
	v54 =	vor.u32 v6, v52;
	v4 =	vxor.u32 v3, v53  }
0xa3: {  	v5 =	vxor.u32 v2, v54;
	v55 =	vshrl.u32 v4, $0x6;
	v56 =	vshll.u32 v4, $0x1A  }
0xa4: {  	v57 =	vshrl.u32 v5, $0x1A;
	v3 =	vadd.s32 v3, v4;
	v58 =	vor.u32 v55, v56  }
0xa5: {  	v59 =	vshll.u32 v5, $0x6;
	v2 =	vadd.s32 v2, v5;
	v4 =	vxor.u32 v3, v58  }
0xa6: {  	v60 =	vor.u32 v57, v59;
	v61 =	vshrl.u32 v4, $0x1A;
	v62 =	vshll.u32 v4, $0x6  }
0xa7: {  	v5 =	vxor.u32 v2, v60;
	v3 =	vadd.s32 v3, v4;
	v63 =	vor.u32 v61, v62  }
0xa8: {  	v2 =	vadd.s32 $0x1BD11BF0, v2;
	v5 =	vadd.s32 $0x5, v5;
	v4 =	vxor.u32 v3, v63  }
0xa9: {  	v2 =	vxor.u32 v2, v5;
	v3 =	vadd.s32 $0x1BD11BF0, v3;
	v4 =	vadd.s32 $0x5, v4  }
0xaa: {  	vm0 =	vlt.u32 v2, $0x26666800;
	v2 =	vxor.u32 v3, v4  }
.Ltmp3:
0xab: {  	s4 =	sshra.s32 s21, $0x2;
	v3 =	vsel vm0, $0x1, v1;
	vm15 =	vlt.u32 v2, $0x26666800;
	(pc) =	sbr.rel .LBB2_4-.Ltmp3, $4  }
0xac: {  	s1 =	sshra.s32 s1, $0x2;
	[tilespmem:s4+$0x10000] =	vst v3;
	v2 =	vsel vm15, $0x1, v1  }
0xad: {  	[tilespmem:s1+$0x10000] =	vst v2  }
0xae: {  	s29 =	simm.s32 $0xFFFFFFFE;
	[bflag:$0x0] =	sbarrier.arrive $0xFFFF  }
0xaf: {  	s30 =	simm.s32 $0xFFF0;
	s31 =	smov.u32 s22;
	s21 =	rddreg [dreg:$0x6]  }
.LBB2_7:
0xb0: {  	p4 =	seq.s32 s1, $0x0;
	p1 =	por $0x0, $0x0  }
0xb1: {  	p3 =	por $0x0, $0x0;
	p2 =	por $0x0, $0x0;
	s4 =	simm.s32 @!p4 $0x2  }
0xb2: {  	p5 =	por @!p4 $0x1, $0x1;
	p6 =	por @!p4 $0x0, $0x0;
	s4 =	simm.s32 @p4 $0x1  }
0xb3: {  	p1 =	por @!p4 p6, p6;
	p3 =	por @!p4 p5, p5;
	p2 =	por @!p4 p6, p6  }
.LBB2_11:
0xb4: {  	_ =	swait.ge [sflag:s4], $0x4000  }
0xb5: {  	[sflag:s4] =	ssyncset.done $0x0  }
0xb6: {  	[sflag:s4] =	ssyncadd.s32 $0xFFFFC000  }
0xb7: {  	v2 =	vld [tilespmem:s30+$0x0];
	_ =	sdelay $0x4  }
0xb8: {  	(v2sf) =	vpush v2, $0x0;
	_ =	sdelay $0xe  }
0xb9: {  	s0 =	spop (v2sf)  }
0xba: {  	p5 =	seq.s32 s0, $0x0  }
0xbb: {  	s0 =	sshll.u32 @!p5 s1, $0xE  }
0xbc: {  	[tilespmem:s0], [sflag:$0x9] =	stream.linear.gather @!p5 [spmem:s2], $0x80, $0x38;
	[tilespmem:$0x10300] =	vst v63  }
0xbd: {  	s4 =	sor.u32 @!p5 $0x400, s0  }
0xbe: {  	[tilespmem:s4], [sflag:$0x9] =	stream.linear.gather @!p5 [spmem:s5], $0x80, $0x38;
	[tilespmem:$0x10300] =	vst v63  }
0xbf: {  	s4 =	sor.u32 @!p5 $0x800, s0  }
0xc0: {  	[tilespmem:s4], [sflag:$0x9] =	stream.linear.gather @!p5 [spmem:s6], $0x80, $0x38;
	[tilespmem:$0x10300] =	vst v63  }
0xc1: {  	s4 =	sor.u32 @!p5 $0xC00, s0  }
0xc2: {  	[tilespmem:s4], [sflag:$0x9] =	stream.linear.gather @!p5 [spmem:s7], $0x80, $0x38;
	[tilespmem:$0x10300] =	vst v63  }
0xc3: {  	s4 =	sor.u32 @!p5 $0x1000, s0  }
0xc4: {  	[tilespmem:s4], [sflag:$0x9] =	stream.linear.gather @!p5 [spmem:s8], $0x80, $0x38;
	[tilespmem:$0x10300] =	vst v63  }
0xc5: {  	s4 =	sor.u32 @!p5 $0x1400, s0  }
0xc6: {  	[tilespmem:s4], [sflag:$0x9] =	stream.linear.gather @!p5 [spmem:s9], $0x80, $0x38;
	[tilespmem:$0x10300] =	vst v63  }
0xc7: {  	s4 =	sor.u32 @!p5 $0x1800, s0  }
0xc8: {  	[tilespmem:s4], [sflag:$0x9] =	stream.linear.gather @!p5 [spmem:s10], $0x80, $0x38;
	[tilespmem:$0x10300] =	vst v63  }
0xc9: {  	s4 =	sor.u32 @!p5 $0x1C00, s0  }
0xca: {  	[tilespmem:s4], [sflag:$0x9] =	stream.linear.gather @!p5 [spmem:s11], $0x80, $0x38;
	[tilespmem:$0x10300] =	vst v63  }
0xcb: {  	s4 =	sor.u32 @!p5 $0x2000, s0  }
0xcc: {  	[tilespmem:s4], [sflag:$0x9] =	stream.linear.gather @!p5 [spmem:s12], $0x80, $0x38;
	[tilespmem:$0x10300] =	vst v63  }
0xcd: {  	s4 =	sor.u32 @!p5 $0x2400, s0  }
0xce: {  	[tilespmem:s4], [sflag:$0x9] =	stream.linear.gather @!p5 [spmem:s13], $0x80, $0x38;
	[tilespmem:$0x10300] =	vst v63  }
0xcf: {  	s4 =	sor.u32 @!p5 $0x2800, s0  }
0xd0: {  	[tilespmem:s4], [sflag:$0x9] =	stream.linear.gather @!p5 [spmem:s14], $0x80, $0x38;
	[tilespmem:$0x10300] =	vst v63  }
0xd1: {  	s4 =	sor.u32 @!p5 $0x2C00, s0  }
0xd2: {  	[tilespmem:s4], [sflag:$0x9] =	stream.linear.gather @!p5 [spmem:s15], $0x80, $0x38;
	[tilespmem:$0x10300] =	vst v63  }
0xd3: {  	s4 =	sor.u32 @!p5 $0x3000, s0  }
0xd4: {  	[tilespmem:s4], [sflag:$0x9] =	stream.linear.gather @!p5 [spmem:s16], $0x80, $0x38;
	[tilespmem:$0x10300] =	vst v63  }
0xd5: {  	s4 =	sor.u32 @!p5 $0x3400, s0  }
0xd6: {  	[tilespmem:s4], [sflag:$0x9] =	stream.linear.gather @!p5 [spmem:s17], $0x80, $0x38;
	[tilespmem:$0x10300] =	vst v63  }
0xd7: {  	s4 =	sor.u32 @!p5 $0x3800, s0  }
0xd8: {  	[tilespmem:s4], [sflag:$0x9] =	stream.linear.gather @!p5 [spmem:s18], $0x80, $0x38;
	[tilespmem:$0x10300] =	vst v63  }
0xd9: {  	s0 =	sor.u32 @!p5 $0x3C00, s0  }
0xda: {  	[tilespmem:s0], [sflag:$0x9] =	stream.linear.gather @!p5 [spmem:s19], $0x80, $0x38;
	[tilespmem:$0x10300] =	vst v63  }
0xdb: {  	s0 =	simm.s32 @!p5 $0x9  }
0xdc: {  	_ =	swait.ge @!p5 [sflag:s0], $0x800  }
0xdd: {  	(v2sf) =	vpush v2, $0x1;
	_ =	sdelay $0xe  }
0xde: {  	s23 =	spop (v2sf)  }
0xdf: {  	p4 =	seq.s32 s23, $0x0  }
0xe0: {  	[sflag:s0] =	ssyncset.done @!p5 $0x0;
	s4 =	sshll.u32 @!p4 s1, $0xE  }
0xe1: {  	[sflag:s0] =	ssyncadd.s32 @!p5 $0xFFFFF800;
	s0 =	sor.u32 @!p4 $0x80, s4  }
0xe2: {  	[tilespmem:s0], [sflag:$0x9] =	stream.linear.gather @!p4 [spmem:s2], $0x80, $0x38;
	[tilespmem:$0x10300] =	vst v63  }
0xe3: {  	s0 =	sor.u32 @!p4 $0x480, s4  }
0xe4: {  	[tilespmem:s0], [sflag:$0x9] =	stream.linear.gather @!p4 [spmem:s5], $0x80, $0x38;
	[tilespmem:$0x10300] =	vst v63  }
0xe5: {  	s0 =	sor.u32 @!p4 $0x880, s4  }
0xe6: {  	[tilespmem:s0], [sflag:$0x9] =	stream.linear.gather @!p4 [spmem:s6], $0x80, $0x38;
	[tilespmem:$0x10300] =	vst v63  }
0xe7: {  	s0 =	sor.u32 @!p4 $0xC80, s4  }
0xe8: {  	[tilespmem:s0], [sflag:$0x9] =	stream.linear.gather @!p4 [spmem:s7], $0x80, $0x38;
	[tilespmem:$0x10300] =	vst v63  }
0xe9: {  	s0 =	sor.u32 @!p4 $0x1080, s4  }
0xea: {  	[tilespmem:s0], [sflag:$0x9] =	stream.linear.gather @!p4 [spmem:s8], $0x80, $0x38;
	[tilespmem:$0x10300] =	vst v63  }
0xeb: {  	s0 =	sor.u32 @!p4 $0x1480, s4  }
0xec: {  	[tilespmem:s0], [sflag:$0x9] =	stream.linear.gather @!p4 [spmem:s9], $0x80, $0x38;
	[tilespmem:$0x10300] =	vst v63  }
0xed: {  	s0 =	sor.u32 @!p4 $0x1880, s4  }
0xee: {  	[tilespmem:s0], [sflag:$0x9] =	stream.linear.gather @!p4 [spmem:s10], $0x80, $0x38;
	[tilespmem:$0x10300] =	vst v63  }
0xef: {  	s0 =	sor.u32 @!p4 $0x1C80, s4  }
0xf0: {  	[tilespmem:s0], [sflag:$0x9] =	stream.linear.gather @!p4 [spmem:s11], $0x80, $0x38;
	[tilespmem:$0x10300] =	vst v63  }
0xf1: {  	s0 =	sor.u32 @!p4 $0x2080, s4  }
0xf2: {  	[tilespmem:s0], [sflag:$0x9] =	stream.linear.gather @!p4 [spmem:s12], $0x80, $0x38;
	[tilespmem:$0x10300] =	vst v63  }
0xf3: {  	s0 =	sor.u32 @!p4 $0x2480, s4  }
0xf4: {  	[tilespmem:s0], [sflag:$0x9] =	stream.linear.gather @!p4 [spmem:s13], $0x80, $0x38;
	[tilespmem:$0x10300] =	vst v63  }
0xf5: {  	s0 =	sor.u32 @!p4 $0x2880, s4  }
0xf6: {  	[tilespmem:s0], [sflag:$0x9] =	stream.linear.gather @!p4 [spmem:s14], $0x80, $0x38;
	[tilespmem:$0x10300] =	vst v63  }
0xf7: {  	s0 =	sor.u32 @!p4 $0x2C80, s4  }
0xf8: {  	[tilespmem:s0], [sflag:$0x9] =	stream.linear.gather @!p4 [spmem:s15], $0x80, $0x38;
	[tilespmem:$0x10300] =	vst v63  }
0xf9: {  	s0 =	sor.u32 @!p4 $0x3080, s4  }
0xfa: {  	[tilespmem:s0], [sflag:$0x9] =	stream.linear.gather @!p4 [spmem:s16], $0x80, $0x38;
	[tilespmem:$0x10300] =	vst v63  }
0xfb: {  	s0 =	sor.u32 @!p4 $0x3480, s4  }
0xfc: {  	[tilespmem:s0], [sflag:$0x9] =	stream.linear.gather @!p4 [spmem:s17], $0x80, $0x38;
	[tilespmem:$0x10300] =	vst v63  }
0xfd: {  	s0 =	sor.u32 @!p4 $0x3880, s4  }
0xfe: {  	[tilespmem:s0], [sflag:$0x9] =	stream.linear.gather @!p4 [spmem:s18], $0x80, $0x38;
	[tilespmem:$0x10300] =	vst v63  }
0xff: {  	s0 =	sor.u32 @!p4 $0x3C80, s4  }
0x100: {  	[tilespmem:s0], [sflag:$0x9] =	stream.linear.gather @!p4 [spmem:s19], $0x80, $0x38;
	[tilespmem:$0x10300] =	vst v63  }
0x101: {  	s0 =	simm.s32 @!p4 $0x9  }
0x102: {  	_ =	swait.ge @!p4 [sflag:s0], $0x800  }
0x103: {  	(v2sf) =	vpush v2, $0x2;
	_ =	sdelay $0xe  }
0x104: {  	s23 =	spop (v2sf)  }
0x105: {  	p5 =	seq.s32 s23, $0x0  }
0x106: {  	[sflag:s0] =	ssyncset.done @!p4 $0x0;
	s4 =	sshll.u32 @!p5 s1, $0xE  }
0x107: {  	[sflag:s0] =	ssyncadd.s32 @!p4 $0xFFFFF800;
	s0 =	sor.u32 @!p5 $0x100, s4  }
0x108: {  	[tilespmem:s0], [sflag:$0x9] =	stream.linear.gather @!p5 [spmem:s2], $0x80, $0x38;
	[tilespmem:$0x10300] =	vst v63  }
0x109: {  	s0 =	sor.u32 @!p5 $0x500, s4  }
0x10a: {  	[tilespmem:s0], [sflag:$0x9] =	stream.linear.gather @!p5 [spmem:s5], $0x80, $0x38;
	[tilespmem:$0x10300] =	vst v63  }
0x10b: {  	s0 =	sor.u32 @!p5 $0x900, s4  }
0x10c: {  	[tilespmem:s0], [sflag:$0x9] =	stream.linear.gather @!p5 [spmem:s6], $0x80, $0x38;
	[tilespmem:$0x10300] =	vst v63  }
0x10d: {  	s0 =	sor.u32 @!p5 $0xD00, s4  }
0x10e: {  	[tilespmem:s0], [sflag:$0x9] =	stream.linear.gather @!p5 [spmem:s7], $0x80, $0x38;
	[tilespmem:$0x10300] =	vst v63  }
0x10f: {  	s0 =	sor.u32 @!p5 $0x1100, s4  }
0x110: {  	[tilespmem:s0], [sflag:$0x9] =	stream.linear.gather @!p5 [spmem:s8], $0x80, $0x38;
	[tilespmem:$0x10300] =	vst v63  }
0x111: {  	s0 =	sor.u32 @!p5 $0x1500, s4  }
0x112: {  	[tilespmem:s0], [sflag:$0x9] =	stream.linear.gather @!p5 [spmem:s9], $0x80, $0x38;
	[tilespmem:$0x10300] =	vst v63  }
0x113: {  	s0 =	sor.u32 @!p5 $0x1900, s4  }
0x114: {  	[tilespmem:s0], [sflag:$0x9] =	stream.linear.gather @!p5 [spmem:s10], $0x80, $0x38;
	[tilespmem:$0x10300] =	vst v63  }
0x115: {  	s0 =	sor.u32 @!p5 $0x1D00, s4  }
0x116: {  	[tilespmem:s0], [sflag:$0x9] =	stream.linear.gather @!p5 [spmem:s11], $0x80, $0x38;
	[tilespmem:$0x10300] =	vst v63  }
0x117: {  	s0 =	sor.u32 @!p5 $0x2100, s4  }
0x118: {  	[tilespmem:s0], [sflag:$0x9] =	stream.linear.gather @!p5 [spmem:s12], $0x80, $0x38;
	[tilespmem:$0x10300] =	vst v63  }
0x119: {  	s0 =	sor.u32 @!p5 $0x2500, s4  }
0x11a: {  	[tilespmem:s0], [sflag:$0x9] =	stream.linear.gather @!p5 [spmem:s13], $0x80, $0x38;
	[tilespmem:$0x10300] =	vst v63  }
0x11b: {  	s0 =	sor.u32 @!p5 $0x2900, s4  }
0x11c: {  	[tilespmem:s0], [sflag:$0x9] =	stream.linear.gather @!p5 [spmem:s14], $0x80, $0x38;
	[tilespmem:$0x10300] =	vst v63  }
0x11d: {  	s0 =	sor.u32 @!p5 $0x2D00, s4  }
0x11e: {  	[tilespmem:s0], [sflag:$0x9] =	stream.linear.gather @!p5 [spmem:s15], $0x80, $0x38;
	[tilespmem:$0x10300] =	vst v63  }
0x11f: {  	s0 =	sor.u32 @!p5 $0x3100, s4  }
0x120: {  	[tilespmem:s0], [sflag:$0x9] =	stream.linear.gather @!p5 [spmem:s16], $0x80, $0x38;
	[tilespmem:$0x10300] =	vst v63  }
0x121: {  	s0 =	sor.u32 @!p5 $0x3500, s4  }
0x122: {  	[tilespmem:s0], [sflag:$0x9] =	stream.linear.gather @!p5 [spmem:s17], $0x80, $0x38;
	[tilespmem:$0x10300] =	vst v63  }
0x123: {  	s0 =	sor.u32 @!p5 $0x3900, s4  }
0x124: {  	[tilespmem:s0], [sflag:$0x9] =	stream.linear.gather @!p5 [spmem:s18], $0x80, $0x38;
	[tilespmem:$0x10300] =	vst v63  }
0x125: {  	s0 =	sor.u32 @!p5 $0x3D00, s4  }
0x126: {  	[tilespmem:s0], [sflag:$0x9] =	stream.linear.gather @!p5 [spmem:s19], $0x80, $0x38;
	[tilespmem:$0x10300] =	vst v63  }
0x127: {  	s0 =	simm.s32 @!p5 $0x9  }
0x128: {  	_ =	swait.ge @!p5 [sflag:s0], $0x800  }
0x129: {  	(v2sf) =	vpush v2, $0x3;
	_ =	sdelay $0xe  }
0x12a: {  	s23 =	spop (v2sf)  }
0x12b: {  	p4 =	seq.s32 s23, $0x0  }
0x12c: {  	[sflag:s0] =	ssyncset.done @!p5 $0x0;
	s4 =	sshll.u32 @!p4 s1, $0xE  }
0x12d: {  	[sflag:s0] =	ssyncadd.s32 @!p5 $0xFFFFF800;
	s0 =	sor.u32 @!p4 $0x180, s4  }
0x12e: {  	[tilespmem:s0], [sflag:$0x9] =	stream.linear.gather @!p4 [spmem:s2], $0x80, $0x38;
	[tilespmem:$0x10300] =	vst v63  }
0x12f: {  	s0 =	sor.u32 @!p4 $0x580, s4  }
0x130: {  	[tilespmem:s0], [sflag:$0x9] =	stream.linear.gather @!p4 [spmem:s5], $0x80, $0x38;
	[tilespmem:$0x10300] =	vst v63  }
0x131: {  	s0 =	sor.u32 @!p4 $0x980, s4  }
0x132: {  	[tilespmem:s0], [sflag:$0x9] =	stream.linear.gather @!p4 [spmem:s6], $0x80, $0x38;
	[tilespmem:$0x10300] =	vst v63  }
0x133: {  	s0 =	sor.u32 @!p4 $0xD80, s4  }
0x134: {  	[tilespmem:s0], [sflag:$0x9] =	stream.linear.gather @!p4 [spmem:s7], $0x80, $0x38;
	[tilespmem:$0x10300] =	vst v63  }
0x135: {  	s0 =	sor.u32 @!p4 $0x1180, s4  }
0x136: {  	[tilespmem:s0], [sflag:$0x9] =	stream.linear.gather @!p4 [spmem:s8], $0x80, $0x38;
	[tilespmem:$0x10300] =	vst v63  }
0x137: {  	s0 =	sor.u32 @!p4 $0x1580, s4  }
0x138: {  	[tilespmem:s0], [sflag:$0x9] =	stream.linear.gather @!p4 [spmem:s9], $0x80, $0x38;
	[tilespmem:$0x10300] =	vst v63  }
0x139: {  	s0 =	sor.u32 @!p4 $0x1980, s4  }
0x13a: {  	[tilespmem:s0], [sflag:$0x9] =	stream.linear.gather @!p4 [spmem:s10], $0x80, $0x38;
	[tilespmem:$0x10300] =	vst v63  }
0x13b: {  	s0 =	sor.u32 @!p4 $0x1D80, s4  }
0x13c: {  	[tilespmem:s0], [sflag:$0x9] =	stream.linear.gather @!p4 [spmem:s11], $0x80, $0x38;
	[tilespmem:$0x10300] =	vst v63  }
0x13d: {  	s0 =	sor.u32 @!p4 $0x2180, s4  }
0x13e: {  	[tilespmem:s0], [sflag:$0x9] =	stream.linear.gather @!p4 [spmem:s12], $0x80, $0x38;
	[tilespmem:$0x10300] =	vst v63  }
0x13f: {  	s0 =	sor.u32 @!p4 $0x2580, s4  }
0x140: {  	[tilespmem:s0], [sflag:$0x9] =	stream.linear.gather @!p4 [spmem:s13], $0x80, $0x38;
	[tilespmem:$0x10300] =	vst v63  }
0x141: {  	s0 =	sor.u32 @!p4 $0x2980, s4  }
0x142: {  	[tilespmem:s0], [sflag:$0x9] =	stream.linear.gather @!p4 [spmem:s14], $0x80, $0x38;
	[tilespmem:$0x10300] =	vst v63  }
0x143: {  	s0 =	sor.u32 @!p4 $0x2D80, s4  }
0x144: {  	[tilespmem:s0], [sflag:$0x9] =	stream.linear.gather @!p4 [spmem:s15], $0x80, $0x38;
	[tilespmem:$0x10300] =	vst v63  }
0x145: {  	s0 =	sor.u32 @!p4 $0x3180, s4  }
0x146: {  	[tilespmem:s0], [sflag:$0x9] =	stream.linear.gather @!p4 [spmem:s16], $0x80, $0x38;
	[tilespmem:$0x10300] =	vst v63  }
0x147: {  	s0 =	sor.u32 @!p4 $0x3580, s4  }
0x148: {  	[tilespmem:s0], [sflag:$0x9] =	stream.linear.gather @!p4 [spmem:s17], $0x80, $0x38;
	[tilespmem:$0x10300] =	vst v63  }
0x149: {  	s0 =	sor.u32 @!p4 $0x3980, s4  }
0x14a: {  	[tilespmem:s0], [sflag:$0x9] =	stream.linear.gather @!p4 [spmem:s18], $0x80, $0x38;
	[tilespmem:$0x10300] =	vst v63  }
0x14b: {  	s0 =	sor.u32 @!p4 $0x3D80, s4  }
0x14c: {  	[tilespmem:s0], [sflag:$0x9] =	stream.linear.gather @!p4 [spmem:s19], $0x80, $0x38;
	[tilespmem:$0x10300] =	vst v63  }
0x14d: {  	s0 =	simm.s32 @!p4 $0x9  }
0x14e: {  	_ =	swait.ge @!p4 [sflag:s0], $0x800  }
0x14f: {  	(v2sf) =	vpush v2, $0x4;
	_ =	sdelay $0xe  }
0x150: {  	s23 =	spop (v2sf)  }
0x151: {  	p5 =	seq.s32 s23, $0x0  }
0x152: {  	[sflag:s0] =	ssyncset.done @!p4 $0x0;
	s4 =	sshll.u32 @!p5 s1, $0xE  }
0x153: {  	[sflag:s0] =	ssyncadd.s32 @!p4 $0xFFFFF800;
	s0 =	sor.u32 @!p5 $0x200, s4  }
0x154: {  	[tilespmem:s0], [sflag:$0x9] =	stream.linear.gather @!p5 [spmem:s2], $0x80, $0x38;
	[tilespmem:$0x10300] =	vst v63  }
0x155: {  	s0 =	sor.u32 @!p5 $0x600, s4  }
0x156: {  	[tilespmem:s0], [sflag:$0x9] =	stream.linear.gather @!p5 [spmem:s5], $0x80, $0x38;
	[tilespmem:$0x10300] =	vst v63  }
0x157: {  	s0 =	sor.u32 @!p5 $0xA00, s4  }
0x158: {  	[tilespmem:s0], [sflag:$0x9] =	stream.linear.gather @!p5 [spmem:s6], $0x80, $0x38;
	[tilespmem:$0x10300] =	vst v63  }
0x159: {  	s0 =	sor.u32 @!p5 $0xE00, s4  }
0x15a: {  	[tilespmem:s0], [sflag:$0x9] =	stream.linear.gather @!p5 [spmem:s7], $0x80, $0x38;
	[tilespmem:$0x10300] =	vst v63  }
0x15b: {  	s0 =	sor.u32 @!p5 $0x1200, s4  }
0x15c: {  	[tilespmem:s0], [sflag:$0x9] =	stream.linear.gather @!p5 [spmem:s8], $0x80, $0x38;
	[tilespmem:$0x10300] =	vst v63  }
0x15d: {  	s0 =	sor.u32 @!p5 $0x1600, s4  }
0x15e: {  	[tilespmem:s0], [sflag:$0x9] =	stream.linear.gather @!p5 [spmem:s9], $0x80, $0x38;
	[tilespmem:$0x10300] =	vst v63  }
0x15f: {  	s0 =	sor.u32 @!p5 $0x1A00, s4  }
0x160: {  	[tilespmem:s0], [sflag:$0x9] =	stream.linear.gather @!p5 [spmem:s10], $0x80, $0x38;
	[tilespmem:$0x10300] =	vst v63  }
0x161: {  	s0 =	sor.u32 @!p5 $0x1E00, s4  }
0x162: {  	[tilespmem:s0], [sflag:$0x9] =	stream.linear.gather @!p5 [spmem:s11], $0x80, $0x38;
	[tilespmem:$0x10300] =	vst v63  }
0x163: {  	s0 =	sor.u32 @!p5 $0x2200, s4  }
0x164: {  	[tilespmem:s0], [sflag:$0x9] =	stream.linear.gather @!p5 [spmem:s12], $0x80, $0x38;
	[tilespmem:$0x10300] =	vst v63  }
0x165: {  	s0 =	sor.u32 @!p5 $0x2600, s4  }
0x166: {  	[tilespmem:s0], [sflag:$0x9] =	stream.linear.gather @!p5 [spmem:s13], $0x80, $0x38;
	[tilespmem:$0x10300] =	vst v63  }
0x167: {  	s0 =	sor.u32 @!p5 $0x2A00, s4  }
0x168: {  	[tilespmem:s0], [sflag:$0x9] =	stream.linear.gather @!p5 [spmem:s14], $0x80, $0x38;
	[tilespmem:$0x10300] =	vst v63  }
0x169: {  	s0 =	sor.u32 @!p5 $0x2E00, s4  }
0x16a: {  	[tilespmem:s0], [sflag:$0x9] =	stream.linear.gather @!p5 [spmem:s15], $0x80, $0x38;
	[tilespmem:$0x10300] =	vst v63  }
0x16b: {  	s0 =	sor.u32 @!p5 $0x3200, s4  }
0x16c: {  	[tilespmem:s0], [sflag:$0x9] =	stream.linear.gather @!p5 [spmem:s16], $0x80, $0x38;
	[tilespmem:$0x10300] =	vst v63  }
0x16d: {  	s0 =	sor.u32 @!p5 $0x3600, s4  }
0x16e: {  	[tilespmem:s0], [sflag:$0x9] =	stream.linear.gather @!p5 [spmem:s17], $0x80, $0x38;
	[tilespmem:$0x10300] =	vst v63  }
0x16f: {  	s0 =	sor.u32 @!p5 $0x3A00, s4  }
0x170: {  	[tilespmem:s0], [sflag:$0x9] =	stream.linear.gather @!p5 [spmem:s18], $0x80, $0x38;
	[tilespmem:$0x10300] =	vst v63  }
0x171: {  	s0 =	sor.u32 @!p5 $0x3E00, s4  }
0x172: {  	[tilespmem:s0], [sflag:$0x9] =	stream.linear.gather @!p5 [spmem:s19], $0x80, $0x38;
	[tilespmem:$0x10300] =	vst v63  }
0x173: {  	s0 =	simm.s32 @!p5 $0x9  }
0x174: {  	_ =	swait.ge @!p5 [sflag:s0], $0x800  }
0x175: {  	(v2sf) =	vpush v2, $0x5;
	_ =	sdelay $0xe  }
0x176: {  	s23 =	spop (v2sf)  }
0x177: {  	p4 =	seq.s32 s23, $0x0  }
0x178: {  	[sflag:s0] =	ssyncset.done @!p5 $0x0;
	s4 =	sshll.u32 @!p4 s1, $0xE  }
0x179: {  	[sflag:s0] =	ssyncadd.s32 @!p5 $0xFFFFF800;
	s0 =	sor.u32 @!p4 $0x280, s4  }
0x17a: {  	[tilespmem:s0], [sflag:$0x9] =	stream.linear.gather @!p4 [spmem:s2], $0x80, $0x38;
	[tilespmem:$0x10300] =	vst v63  }
0x17b: {  	s0 =	sor.u32 @!p4 $0x680, s4  }
0x17c: {  	[tilespmem:s0], [sflag:$0x9] =	stream.linear.gather @!p4 [spmem:s5], $0x80, $0x38;
	[tilespmem:$0x10300] =	vst v63  }
0x17d: {  	s0 =	sor.u32 @!p4 $0xA80, s4  }
0x17e: {  	[tilespmem:s0], [sflag:$0x9] =	stream.linear.gather @!p4 [spmem:s6], $0x80, $0x38;
	[tilespmem:$0x10300] =	vst v63  }
0x17f: {  	s0 =	sor.u32 @!p4 $0xE80, s4  }
0x180: {  	[tilespmem:s0], [sflag:$0x9] =	stream.linear.gather @!p4 [spmem:s7], $0x80, $0x38;
	[tilespmem:$0x10300] =	vst v63  }
0x181: {  	s0 =	sor.u32 @!p4 $0x1280, s4  }
0x182: {  	[tilespmem:s0], [sflag:$0x9] =	stream.linear.gather @!p4 [spmem:s8], $0x80, $0x38;
	[tilespmem:$0x10300] =	vst v63  }
0x183: {  	s0 =	sor.u32 @!p4 $0x1680, s4  }
0x184: {  	[tilespmem:s0], [sflag:$0x9] =	stream.linear.gather @!p4 [spmem:s9], $0x80, $0x38;
	[tilespmem:$0x10300] =	vst v63  }
0x185: {  	s0 =	sor.u32 @!p4 $0x1A80, s4  }
0x186: {  	[tilespmem:s0], [sflag:$0x9] =	stream.linear.gather @!p4 [spmem:s10], $0x80, $0x38;
	[tilespmem:$0x10300] =	vst v63  }
0x187: {  	s0 =	sor.u32 @!p4 $0x1E80, s4  }
0x188: {  	[tilespmem:s0], [sflag:$0x9] =	stream.linear.gather @!p4 [spmem:s11], $0x80, $0x38;
	[tilespmem:$0x10300] =	vst v63  }
0x189: {  	s0 =	sor.u32 @!p4 $0x2280, s4  }
0x18a: {  	[tilespmem:s0], [sflag:$0x9] =	stream.linear.gather @!p4 [spmem:s12], $0x80, $0x38;
	[tilespmem:$0x10300] =	vst v63  }
0x18b: {  	s0 =	sor.u32 @!p4 $0x2680, s4  }
0x18c: {  	[tilespmem:s0], [sflag:$0x9] =	stream.linear.gather @!p4 [spmem:s13], $0x80, $0x38;
	[tilespmem:$0x10300] =	vst v63  }
0x18d: {  	s0 =	sor.u32 @!p4 $0x2A80, s4  }
0x18e: {  	[tilespmem:s0], [sflag:$0x9] =	stream.linear.gather @!p4 [spmem:s14], $0x80, $0x38;
	[tilespmem:$0x10300] =	vst v63  }
0x18f: {  	s0 =	sor.u32 @!p4 $0x2E80, s4  }
0x190: {  	[tilespmem:s0], [sflag:$0x9] =	stream.linear.gather @!p4 [spmem:s15], $0x80, $0x38;
	[tilespmem:$0x10300] =	vst v63  }
0x191: {  	s0 =	sor.u32 @!p4 $0x3280, s4  }
0x192: {  	[tilespmem:s0], [sflag:$0x9] =	stream.linear.gather @!p4 [spmem:s16], $0x80, $0x38;
	[tilespmem:$0x10300] =	vst v63  }
0x193: {  	s0 =	sor.u32 @!p4 $0x3680, s4  }
0x194: {  	[tilespmem:s0], [sflag:$0x9] =	stream.linear.gather @!p4 [spmem:s17], $0x80, $0x38;
	[tilespmem:$0x10300] =	vst v63  }
0x195: {  	s0 =	sor.u32 @!p4 $0x3A80, s4  }
0x196: {  	[tilespmem:s0], [sflag:$0x9] =	stream.linear.gather @!p4 [spmem:s18], $0x80, $0x38;
	[tilespmem:$0x10300] =	vst v63  }
0x197: {  	s0 =	sor.u32 @!p4 $0x3E80, s4  }
0x198: {  	[tilespmem:s0], [sflag:$0x9] =	stream.linear.gather @!p4 [spmem:s19], $0x80, $0x38;
	[tilespmem:$0x10300] =	vst v63  }
0x199: {  	s0 =	simm.s32 @!p4 $0x9  }
0x19a: {  	_ =	swait.ge @!p4 [sflag:s0], $0x800  }
0x19b: {  	(v2sf) =	vpush v2, $0x6;
	_ =	sdelay $0xe  }
0x19c: {  	s23 =	spop (v2sf)  }
0x19d: {  	p5 =	seq.s32 s23, $0x0  }
0x19e: {  	[sflag:s0] =	ssyncset.done @!p4 $0x0;
	s4 =	sshll.u32 @!p5 s1, $0xE  }
0x19f: {  	[sflag:s0] =	ssyncadd.s32 @!p4 $0xFFFFF800;
	s0 =	sor.u32 @!p5 $0x300, s4  }
0x1a0: {  	[tilespmem:s0], [sflag:$0x9] =	stream.linear.gather @!p5 [spmem:s2], $0x80, $0x38;
	[tilespmem:$0x10300] =	vst v63  }
0x1a1: {  	s0 =	sor.u32 @!p5 $0x700, s4  }
0x1a2: {  	[tilespmem:s0], [sflag:$0x9] =	stream.linear.gather @!p5 [spmem:s5], $0x80, $0x38;
	[tilespmem:$0x10300] =	vst v63  }
0x1a3: {  	s0 =	sor.u32 @!p5 $0xB00, s4  }
0x1a4: {  	[tilespmem:s0], [sflag:$0x9] =	stream.linear.gather @!p5 [spmem:s6], $0x80, $0x38;
	[tilespmem:$0x10300] =	vst v63  }
0x1a5: {  	s0 =	sor.u32 @!p5 $0xF00, s4  }
0x1a6: {  	[tilespmem:s0], [sflag:$0x9] =	stream.linear.gather @!p5 [spmem:s7], $0x80, $0x38;
	[tilespmem:$0x10300] =	vst v63  }
0x1a7: {  	s0 =	sor.u32 @!p5 $0x1300, s4  }
0x1a8: {  	[tilespmem:s0], [sflag:$0x9] =	stream.linear.gather @!p5 [spmem:s8], $0x80, $0x38;
	[tilespmem:$0x10300] =	vst v63  }
0x1a9: {  	s0 =	sor.u32 @!p5 $0x1700, s4  }
0x1aa: {  	[tilespmem:s0], [sflag:$0x9] =	stream.linear.gather @!p5 [spmem:s9], $0x80, $0x38;
	[tilespmem:$0x10300] =	vst v63  }
0x1ab: {  	s0 =	sor.u32 @!p5 $0x1B00, s4  }
0x1ac: {  	[tilespmem:s0], [sflag:$0x9] =	stream.linear.gather @!p5 [spmem:s10], $0x80, $0x38;
	[tilespmem:$0x10300] =	vst v63  }
0x1ad: {  	s0 =	sor.u32 @!p5 $0x1F00, s4  }
0x1ae: {  	[tilespmem:s0], [sflag:$0x9] =	stream.linear.gather @!p5 [spmem:s11], $0x80, $0x38;
	[tilespmem:$0x10300] =	vst v63  }
0x1af: {  	s0 =	sor.u32 @!p5 $0x2300, s4  }
0x1b0: {  	[tilespmem:s0], [sflag:$0x9] =	stream.linear.gather @!p5 [spmem:s12], $0x80, $0x38;
	[tilespmem:$0x10300] =	vst v63  }
0x1b1: {  	s0 =	sor.u32 @!p5 $0x2700, s4  }
0x1b2: {  	[tilespmem:s0], [sflag:$0x9] =	stream.linear.gather @!p5 [spmem:s13], $0x80, $0x38;
	[tilespmem:$0x10300] =	vst v63  }
0x1b3: {  	s0 =	sor.u32 @!p5 $0x2B00, s4  }
0x1b4: {  	[tilespmem:s0], [sflag:$0x9] =	stream.linear.gather @!p5 [spmem:s14], $0x80, $0x38;
	[tilespmem:$0x10300] =	vst v63  }
0x1b5: {  	s0 =	sor.u32 @!p5 $0x2F00, s4  }
0x1b6: {  	[tilespmem:s0], [sflag:$0x9] =	stream.linear.gather @!p5 [spmem:s15], $0x80, $0x38;
	[tilespmem:$0x10300] =	vst v63  }
0x1b7: {  	s0 =	sor.u32 @!p5 $0x3300, s4  }
0x1b8: {  	[tilespmem:s0], [sflag:$0x9] =	stream.linear.gather @!p5 [spmem:s16], $0x80, $0x38;
	[tilespmem:$0x10300] =	vst v63  }
0x1b9: {  	s0 =	sor.u32 @!p5 $0x3700, s4  }
0x1ba: {  	[tilespmem:s0], [sflag:$0x9] =	stream.linear.gather @!p5 [spmem:s17], $0x80, $0x38;
	[tilespmem:$0x10300] =	vst v63  }
0x1bb: {  	s0 =	sor.u32 @!p5 $0x3B00, s4  }
0x1bc: {  	[tilespmem:s0], [sflag:$0x9] =	stream.linear.gather @!p5 [spmem:s18], $0x80, $0x38;
	[tilespmem:$0x10300] =	vst v63  }
0x1bd: {  	s0 =	sor.u32 @!p5 $0x3F00, s4  }
0x1be: {  	[tilespmem:s0], [sflag:$0x9] =	stream.linear.gather @!p5 [spmem:s19], $0x80, $0x38;
	[tilespmem:$0x10300] =	vst v63  }
0x1bf: {  	s0 =	simm.s32 @!p5 $0x9  }
0x1c0: {  	_ =	swait.ge @!p5 [sflag:s0], $0x800  }
0x1c1: {  	(v2sf) =	vpush v2, $0x7;
	_ =	sdelay $0xe  }
0x1c2: {  	s23 =	spop (v2sf)  }
0x1c3: {  	p4 =	seq.s32 s23, $0x0  }
0x1c4: {  	[sflag:s0] =	ssyncset.done @!p5 $0x0;
	s4 =	sshll.u32 @!p4 s1, $0xE  }
0x1c5: {  	[sflag:s0] =	ssyncadd.s32 @!p5 $0xFFFFF800;
	s0 =	sor.u32 @!p4 $0x380, s4  }
0x1c6: {  	[tilespmem:s0], [sflag:$0x9] =	stream.linear.gather @!p4 [spmem:s2], $0x80, $0x38;
	[tilespmem:$0x10300] =	vst v63  }
0x1c7: {  	s0 =	sor.u32 @!p4 $0x780, s4  }
0x1c8: {  	[tilespmem:s0], [sflag:$0x9] =	stream.linear.gather @!p4 [spmem:s5], $0x80, $0x38;
	[tilespmem:$0x10300] =	vst v63  }
0x1c9: {  	s0 =	sor.u32 @!p4 $0xB80, s4  }
0x1ca: {  	[tilespmem:s0], [sflag:$0x9] =	stream.linear.gather @!p4 [spmem:s6], $0x80, $0x38;
	[tilespmem:$0x10300] =	vst v63  }
0x1cb: {  	s0 =	sor.u32 @!p4 $0xF80, s4  }
0x1cc: {  	[tilespmem:s0], [sflag:$0x9] =	stream.linear.gather @!p4 [spmem:s7], $0x80, $0x38;
	[tilespmem:$0x10300] =	vst v63  }
0x1cd: {  	s0 =	sor.u32 @!p4 $0x1380, s4  }
0x1ce: {  	[tilespmem:s0], [sflag:$0x9] =	stream.linear.gather @!p4 [spmem:s8], $0x80, $0x38;
	[tilespmem:$0x10300] =	vst v63  }
0x1cf: {  	s0 =	sor.u32 @!p4 $0x1780, s4  }
0x1d0: {  	[tilespmem:s0], [sflag:$0x9] =	stream.linear.gather @!p4 [spmem:s9], $0x80, $0x38;
	[tilespmem:$0x10300] =	vst v63  }
0x1d1: {  	s0 =	sor.u32 @!p4 $0x1B80, s4  }
0x1d2: {  	[tilespmem:s0], [sflag:$0x9] =	stream.linear.gather @!p4 [spmem:s10], $0x80, $0x38;
	[tilespmem:$0x10300] =	vst v63  }
0x1d3: {  	s0 =	sor.u32 @!p4 $0x1F80, s4  }
0x1d4: {  	[tilespmem:s0], [sflag:$0x9] =	stream.linear.gather @!p4 [spmem:s11], $0x80, $0x38;
	[tilespmem:$0x10300] =	vst v63  }
0x1d5: {  	s0 =	sor.u32 @!p4 $0x2380, s4  }
0x1d6: {  	[tilespmem:s0], [sflag:$0x9] =	stream.linear.gather @!p4 [spmem:s12], $0x80, $0x38;
	[tilespmem:$0x10300] =	vst v63  }
0x1d7: {  	s0 =	sor.u32 @!p4 $0x2780, s4  }
0x1d8: {  	[tilespmem:s0], [sflag:$0x9] =	stream.linear.gather @!p4 [spmem:s13], $0x80, $0x38;
	[tilespmem:$0x10300] =	vst v63  }
0x1d9: {  	s0 =	sor.u32 @!p4 $0x2B80, s4  }
0x1da: {  	[tilespmem:s0], [sflag:$0x9] =	stream.linear.gather @!p4 [spmem:s14], $0x80, $0x38;
	[tilespmem:$0x10300] =	vst v63  }
0x1db: {  	s0 =	sor.u32 @!p4 $0x2F80, s4  }
0x1dc: {  	[tilespmem:s0], [sflag:$0x9] =	stream.linear.gather @!p4 [spmem:s15], $0x80, $0x38;
	[tilespmem:$0x10300] =	vst v63  }
0x1dd: {  	s0 =	sor.u32 @!p4 $0x3380, s4  }
0x1de: {  	[tilespmem:s0], [sflag:$0x9] =	stream.linear.gather @!p4 [spmem:s16], $0x80, $0x38;
	[tilespmem:$0x10300] =	vst v63  }
0x1df: {  	s0 =	sor.u32 @!p4 $0x3780, s4  }
0x1e0: {  	[tilespmem:s0], [sflag:$0x9] =	stream.linear.gather @!p4 [spmem:s17], $0x80, $0x38;
	[tilespmem:$0x10300] =	vst v63  }
0x1e1: {  	s0 =	sor.u32 @!p4 $0x3B80, s4  }
0x1e2: {  	[tilespmem:s0], [sflag:$0x9] =	stream.linear.gather @!p4 [spmem:s18], $0x80, $0x38;
	[tilespmem:$0x10300] =	vst v63  }
0x1e3: {  	s0 =	sor.u32 @!p4 $0x3F80, s4  }
0x1e4: {  	[tilespmem:s0], [sflag:$0x9] =	stream.linear.gather @!p4 [spmem:s19], $0x80, $0x38;
	[tilespmem:$0x10300] =	vst v63  }
0x1e5: {  	s0 =	simm.s32 @!p4 $0x9  }
0x1e6: {  	_ =	swait.ge @!p4 [sflag:s0], $0x800  }
0x1e7: {  	p5 =	sne.s32 s1, $0x0;
	[sflag:s0] =	ssyncset.done @!p4 $0x0  }
0x1e8: {  	[sflag:s0] =	ssyncadd.s32 @!p4 $0xFFFFF800;
	s0 =	simm.s32 @!p5 $0x0  }
0x1e9: {  	[hbm4b:s31+s0] =	stream.linear.scatter @!p5 [tilespmem:s0], [sflag:$0x5], $0x4000, $0x38;
	[tilespmem:$0x10300] =	vst v63  }
0x1ea: {  	s1 =	simm.s32 @p3 $0x4000;
	s0 =	simm.s32 @p3 $0x0  }
0x1eb: {  	[hbm4b:s31+s0] =	stream.linear.scatter @p3 [tilespmem:s1], [sflag:$0x6], $0x4000, $0x38;
	[tilespmem:$0x10300] =	vst v63  }
0x1ec: {  	s0 =	simm.s32 @p2 $0x0;
	s1 =	simm.s32 @p2 $0x8000  }
0x1ed: {  	[hbm4b:s31+s0] =	stream.linear.scatter @p2 [tilespmem:s1], [sflag:$0x7], $0x4000, $0x38;
	[tilespmem:$0x10300] =	vst v63  }
0x1ee: {  	s0 =	simm.s32 @p1 $0x0;
	s1 =	simm.s32 @p1 $0xC000  }
0x1ef: {  	[hbm4b:s31+s0] =	stream.linear.scatter @p1 [tilespmem:s1], [sflag:$0x8], $0x4000, $0x38;
	[tilespmem:$0x10300] =	vst v63  }
.LBB2_12:
0x1f0: {  	s29 =	sadd.s32 $0x1, s29  }
0x1f1: {  	p1 =	sne.s32 s29, $0x40  }
.Ltmp4:
0x1f2: {  	_ = 	snop;
	(pc) =	sbr.rel @!p1 .LBB2_13-.Ltmp4, $2  }
0x1f3: {  	_ =	sdelay $0x2  }
0x1f4: {  	s21 =	sadd.s32 $0x800, s21;
	s30 =	sadd.s32 $0x8, s30;
	s31 =	sadd.s32 $0x800, s31  }
.LBB2_4:
0x1f5: {  	s1 =	sadd.s32 $0x2, s29  }
0x1f6: {  	p1 =	sgt.u32 s1, $0x3F  }
.Ltmp5:
0x1f7: {  	_ = 	snop;
	(pc) =	sbr.rel @p1 .LBB2_6-.Ltmp5, $1  }
0x1f8: {  	_ =	sdelay $0x3  }
0x1f9: {  	s4 =	sand.u32 $0x3, s1  }
0x1fa: {  	p1 =	sgt.s32 s4, $0x1  }
0x1fb: {  	p2 =	seq.s32 @p1 s4, $0x2  }
0x1fc: {  	p3 =	por !p2, !p1  }
0x1fd: {  	p4 =	slt.u32 @!p3 s1, $0x4  }
0x1fe: {  	p4 =	por @p1 p4, !p2  }
0x1ff: {  	p4 =	por p4, !p1  }
0x200: {  	s23 =	simm.s32 @!p4 $0x7  }
0x201: {  	_ =	swait.ge @!p4 [sflag:s23], $0x4000  }
0x202: {  	[sflag:s23] =	ssyncset.done @!p4 $0x0  }
0x203: {  	s0 =	simm.s32 @!p3 $0x8000;
	[sflag:s23] =	ssyncadd.s32 @!p4 $0xFFFFC000;
	s23 =	simm.s32 @!p3 $0x0  }
0x204: {  	[tilespmem:s0], [sflag:$0x3] =	stream.linear.gather @!p3 [hbm4b:s21+s23], $0x4000, $0x38;
	[tilespmem:$0x10300] =	vst v63  }
0x205: {  	p3 =	por p2, !p1  }
0x206: {  	p4 =	slt.u32 @!p3 s1, $0x4  }
0x207: {  	p2 =	por @p1 p4, p2  }
0x208: {  	p2 =	por p2, !p1  }
0x209: {  	s0 =	simm.s32 @!p2 $0x8  }
0x20a: {  	_ =	swait.ge @!p2 [sflag:s0], $0x4000  }
0x20b: {  	s23 =	simm.s32 @!p3 $0xC000;
	[sflag:s0] =	ssyncset.done @!p2 $0x0  }
0x20c: {  	[sflag:s0] =	ssyncadd.s32 @!p2 $0xFFFFC000;
	s0 =	simm.s32 @!p3 $0x0;
	p2 =	seq.s32 @!p1 s4, $0x0  }
0x20d: {  	[tilespmem:s23], [sflag:$0x4] =	stream.linear.gather @!p3 [hbm4b:s21+s0], $0x4000, $0x38;
	[tilespmem:$0x10300] =	vst v63  }
0x20e: {  	p3 =	por !p2, p1  }
0x20f: {  	p4 =	slt.u32 @!p3 s1, $0x4  }
0x210: {  	p4 =	por @!p1 p4, !p2  }
0x211: {  	p4 =	por p4, p1  }
0x212: {  	s0 =	simm.s32 @!p4 $0x5  }
0x213: {  	_ =	swait.ge @!p4 [sflag:s0], $0x4000  }
0x214: {  	[sflag:s0] =	ssyncset.done @!p4 $0x0  }
0x215: {  	[sflag:s0] =	ssyncadd.s32 @!p4 $0xFFFFC000;
	s0 =	simm.s32 @!p3 $0x0  }
0x216: {  	[tilespmem:s0], [sflag:$0x1] =	stream.linear.gather @!p3 [hbm4b:s21+s0], $0x4000, $0x38;
	[tilespmem:$0x10300] =	vst v63  }
0x217: {  	p3 =	por p2, p1  }
0x218: {  	p4 =	slt.u32 @!p3 s1, $0x4  }
0x219: {  	p2 =	por @!p1 p4, p2  }
0x21a: {  	p1 =	por p2, p1  }
0x21b: {  	s0 =	simm.s32 @!p1 $0x6  }
0x21c: {  	_ =	swait.ge @!p1 [sflag:s0], $0x4000  }
0x21d: {  	[sflag:s0] =	ssyncset.done @!p1 $0x0  }
0x21e: {  	[sflag:s0] =	ssyncadd.s32 @!p1 $0xFFFFC000;
	p1 =	slt.u32 s1, $0x2  }
.Ltmp6:
0x21f: {  	_ = 	snop;
	(pc) =	sbr.rel @p1 .LBB2_12-.Ltmp6, $3  }
0x220: {  	_ =	sdelay $0x1  }
0x221: {  	s4 =	simm.s32 @!p3 $0x4000;
	s0 =	simm.s32 @!p3 $0x0  }
0x222: {  	[tilespmem:s4], [sflag:$0x2] =	stream.linear.gather @!p3 [hbm4b:s21+s0], $0x4000, $0x38;
	[tilespmem:$0x10300] =	vst v63  }
.LBB2_6:
0x223: {  	s1 =	sand.u32 $0x3, s29  }
0x224: {  	p1 =	sgt.s32 s1, $0x1  }
.Ltmp7:
0x225: {  	_ = 	snop;
	(pc) =	sbr.rel @!p1 .LBB2_7-.Ltmp7, $1  }
0x226: {  	_ =	sdelay $0x3  }
0x227: {  	p1 =	seq.s32 s1, $0x3  }
.Ltmp8:
0x228: {  	_ = 	snop;
	(pc) =	sbr.rel @!p1 .LBB2_9-.Ltmp8, $1  }
0x229: {  	_ =	sdelay $0x3  }
.Ltmp9:
0x22a: {  	(pc) =	sbr.rel .LBB2_11-.Ltmp9, $3  }
0x22b: {  	_ =	sdelay $0x1  }
0x22c: {  	p3 =	por $0x0, $0x0  }
0x22d: {  	p1 =	por $0x1, $0x1;
	s4 =	simm.s32 $0x4;
	p2 =	por $0x0, $0x0  }
.LBB2_9:
.Ltmp10:
0x22e: {  	(pc) =	sbr.rel .LBB2_11-.Ltmp10, $3  }
0x22f: {  	_ =	sdelay $0x1  }
0x230: {  	p2 =	por $0x1, $0x1  }
0x231: {  	p1 =	por $0x0, $0x0;
	s4 =	simm.s32 $0x3;
	p3 =	por $0x0, $0x0  }
.LBB2_14:
0x232: {  	_ =	sfence.sel $0x180000  }
0x233: {  	[bflag:$0x0] =	sbarrier.arrive $0xFFFF  }
0x234: {  	_ =	strace $0x90000047  }
0x235: {  	[bflag:$0x2] =	sbarrier.arrive $0xFFFF  }
0x236: {  	s0 =	rddreg [dreg:$0x4]  }
0x237: {  	s0 =	sadd.s32 @!p0 $0x100000, s0  }
0x238: {  	[sflag:s0] =	ssyncadd.tile.s32 @!p0 $0x1;
	_ =	shalt  }
.Lfunc_end2:
_tile_overlayer_lowered:
.L_overlay_start_2:
0x239: {  	(tag) =	ssettag $0x2  }
0x23a: {  	s0 =	rddreg [dreg:$0x0];
	s2 =	stileid.u32  }
0x23b: {  	s1 =	rddreg [dreg:$0x1];
	p0 =	sne.s32 s2, $0x0  }
0x23c: {  	s3 =	rddreg [dreg:$0x2];
	[bflag:$0x3] =	sbarrier.arrive $0xFFFF;
	s2 =	simm.s32 @!p0 $0x1C09  }
0x23d: {  	[timem:s3], [sflag:s2] =	dma.local @!p0 [hbm:s0], s1  }
0x23e: {  	s0 =	simm.s32 @!p0 $0x9  }
0x23f: {  	_ =	swait.ge @!p0 [sflag:s0], s1  }
0x240: {  	s1 =	ssub.s32 @!p0 $0x0, s1;
	[sflag:s0] =	ssyncset.done @!p0 $0x0  }
0x241: {  	[sflag:s0] =	ssyncadd.s32 @!p0 s1  }
0x242: {  	[bflag:$0x3] =	sbarrier.arrive $0xFFFF  }
0x243: {  	_ =	shalt  }

</sc_bundles>
